<compile_context>
chip_gen: v7x
topology: tpu7x:2x2x1
jax: 0.10.2.dev20260603
libtpu: 0.0.44.dev20260713+nightly
codegen_flags: <defaults>
</compile_context>

<pallas_src>
import functools

import jax
import jax.numpy as jnp
from jax import lax
from jax.experimental import pallas as pl
from jax.experimental.pallas import tpu as pltpu
from jax.experimental.pallas import tpu_sc as plsc

B, N, L, H, MD = 16, 128, 512, 32, 5
NN = N * N
BNN = B * NN
NE = B * L
LP = L + 8
TRORS = B * LP
HM = MD * H
NSPT = 512
NC, NS = 2, 16
NW = NC * NS
POS_W = BNN // NW
G = 64
NCHUNK = POS_W // G
EPW = NE // NW
TW = 128

_MESH = dict(core_axis_name="c", subcore_axis_name="s")


def _precompute_body(ed_ref, w1_ref, b1_ref, w2_ref, bc_ref, w5_ref, nd_ref,
                     ncw_ref, hm_ref, projm_ref):
    w5 = w5_ref[...]
    w2c = jnp.dot(w2_ref[...], w5, preferred_element_type=jnp.float32)
    biasc = jnp.dot(bc_ref[...], w5, preferred_element_type=jnp.float32)
    a = jnp.dot(ed_ref[...], w1_ref[...], preferred_element_type=jnp.float32)
    a = jnp.maximum(a + b1_ref[...], 0.0)
    hm_ref[...] = jnp.dot(a, w2c, preferred_element_type=jnp.float32) + biasc
    ncm = jnp.dot(ncw_ref[...], w5, preferred_element_type=jnp.float32)
    projm_ref[:, 0:HM] = jnp.dot(nd_ref[...], ncm,
                                 preferred_element_type=jnp.float32)


def _precompute(ed, w1, b1, w2, bc, w5, nd, ncw):
    return pl.pallas_call(
        _precompute_body,
        out_shape=(jax.ShapeDtypeStruct((NE, HM), jnp.float32),
                   jax.ShapeDtypeStruct((B * N, 2 * TW), jnp.float32)),
    )(ed, w1, b1, w2, bc, w5, nd, ncw)


def _table_body(hm_hbm, projm_hbm, src_hbm, dst_hbm, t_hbm,
                hb, sb, db, sib, dib, tb, zr, sem):
    w = lax.axis_index("s") * NC + lax.axis_index("c")
    b = w // 2
    eh = 64

    def half(k, _):
        e0 = w * EPW + k * eh
        cps = [pltpu.async_copy(hm_hbm.at[pl.ds(e0, eh), :], hb, sem),
               pltpu.async_copy(src_hbm.at[pl.ds(e0, eh)], sib, sem),
               pltpu.async_copy(dst_hbm.at[pl.ds(e0, eh)], dib, sem)]
        for c in cps:
            c.wait()
        gs = pltpu.async_copy(projm_hbm.at[sib], sb, sem)
        gd = pltpu.async_copy(projm_hbm.at[dib], db, sem)
        gs.wait()
        gd.wait()

        def row(p, _):
            for m in range(MD):
                for h in range(2):
                    dsrc = pl.ds(m * H + h * 16, 16)
                    tb[p * MD + m, pl.ds(h * 16, 16)] = (
                        hb[p, dsrc] + sb[p, dsrc] + db[p, dsrc])
            return 0

        lax.fori_loop(0, eh, row, 0)
        pltpu.sync_copy(tb, t_hbm.at[pl.ds((e0 + b * 8) * MD, eh * MD), :])
        return 0

    lax.fori_loop(0, EPW // eh, half, 0)

    @pl.when(w % 2 == 1)
    def _zero_rows():
        def zrow(p, _):
            for q in range(TW // 16):
                zr[p, pl.ds(q * 16, 16)] = jnp.zeros((16,), jnp.float32)
            return 0

        lax.fori_loop(0, 8 * MD, zrow, 0)
        pltpu.sync_copy(zr, t_hbm.at[pl.ds((b * LP + L) * MD, 8 * MD), :])


def _build_table(hm, projm, src, dst):
    f = pl.kernel(
        _table_body,
        out_type=jax.ShapeDtypeStruct((TRORS * MD, TW), jnp.float32),
        mesh=plsc.VectorSubcoreMesh(**_MESH),
        scratch_types=[
            pltpu.VMEM((64, HM), jnp.float32),
            pltpu.VMEM((64, 2 * TW), jnp.float32),
            pltpu.VMEM((64, 2 * TW), jnp.float32),
            pltpu.VMEM((64,), jnp.int32),
            pltpu.VMEM((64,), jnp.int32),
            pltpu.VMEM((64 * MD, TW), jnp.float32),
            pltpu.VMEM((8 * MD, TW), jnp.float32),
            pltpu.SemaphoreType.DMA,
        ],
    )
    return f(hm, projm, src, dst)


def _gather_body(idxe_hbm, sp_hbm, tbl_hbm, ext_hbm, acc_hbm,
                 eb, exb, ob, ib, spb, semi, semg, semo):
    w = lax.axis_index("s") * NC + lax.axis_index("c")
    w0 = w * POS_W

    def idx_cps(c, par):
        base = w0 + c * G
        cps = [pltpu.make_async_copy(idxe_hbm.at[pl.ds(m * BNN + base, G)],
                                     ib[par][m], semi[par]) for m in range(MD)]
        cps.append(pltpu.make_async_copy(sp_hbm.at[pl.ds(base, G)], spb[par],
                                         semi[par]))
        return cps

    def gather_cps(par):
        cps = [pltpu.make_async_copy(tbl_hbm.at[ib[par][m]], eb[par][m],
                                     semg[par]) for m in range(MD)]
        cps.append(pltpu.make_async_copy(ext_hbm.at[spb[par]], exb[par],
                                         semg[par]))
        return cps

    def out_cp(c, par):
        return pltpu.make_async_copy(ob[par],
                                     acc_hbm.at[pl.ds(w0 + c * G, G), :],
                                     semo[par])

    for cp in idx_cps(0, 0):
        cp.start()
    for cp in idx_cps(0, 0):
        cp.wait()
    for cp in gather_cps(0):
        cp.start()
    for cp in idx_cps(1, 1):
        cp.start()

    def pair(it, _):
        for par in range(2):
            c = 2 * it + par

            @pl.when(c + 1 < NCHUNK)
            def _advance():
                for cp in idx_cps(c + 1, 1 - par):
                    cp.wait()
                for cp in gather_cps(1 - par):
                    cp.start()

            for cp in gather_cps(par):
                cp.wait()

            @pl.when(c + 2 < NCHUNK)
            def _prefetch_idx():
                for cp in idx_cps(c + 2, par):
                    cp.start()

            @pl.when(c >= 2)
            def _drain_out():
                out_cp(c - 2, par).wait()

            def row(p, _):
                lo = pl.ds(0, 16)
                hi = pl.ds(16, 16)
                e = eb[par]
                r = exb[par][p, pl.ds(32, 16)]
                e0 = ((e[0][p, lo] + e[1][p, lo]) + (e[2][p, lo] + e[3][p, lo])
                      + e[4][p, lo])
                e1 = ((e[0][p, hi] + e[1][p, hi]) + (e[2][p, hi] + e[3][p, hi])
                      + e[4][p, hi])
                ob[par][p, lo] = exb[par][p, lo] + r * e0
                ob[par][p, hi] = exb[par][p, hi] + r * e1
                return 0

            lax.fori_loop(0, G, row, 0)
            out_cp(c, par).start()
        return 0

    lax.fori_loop(0, NCHUNK // 2, pair, 0)
    out_cp(NCHUNK - 2, 0).wait()
    out_cp(NCHUNK - 1, 1).wait()


def _gather_acc(idx_e, sp_flat, tbl32, spt_ext):
    f = pl.kernel(
        _gather_body,
        out_type=jax.ShapeDtypeStruct((BNN, H), jnp.float32),
        mesh=plsc.VectorSubcoreMesh(**_MESH),
        scratch_types=[
            [[pltpu.VMEM((G, TW), jnp.float32) for _ in range(MD)]
             for _ in range(2)],
            [pltpu.VMEM((G, TW), jnp.float32) for _ in range(2)],
            [pltpu.VMEM((G, H), jnp.float32) for _ in range(2)],
            [[pltpu.VMEM((G,), jnp.int32) for _ in range(MD)]
             for _ in range(2)],
            [pltpu.VMEM((G,), jnp.int32) for _ in range(2)],
            [pltpu.SemaphoreType.DMA for _ in range(2)],
            [pltpu.SemaphoreType.DMA for _ in range(2)],
            [pltpu.SemaphoreType.DMA for _ in range(2)],
        ],
    )
    return f(idx_e, sp_flat, tbl32, spt_ext)


def _assemble_body(ab_ref, x2_ref, x3_ref, acc_ref, wc_ref, bias_ref, gt_ref,
                   out_ref):
    xc = jnp.concatenate(
        [x2_ref[0].astype(jnp.bfloat16), x3_ref[0].astype(jnp.bfloat16),
         acc_ref[0].astype(jnp.bfloat16)], axis=1)
    wc = wc_ref[...].astype(jnp.bfloat16)
    st = lax.dot_general(wc, xc, (((0,), (1,)), ((), ())),
                         preferred_element_type=jnp.float32)
    st = st + bias_ref[...].reshape(H, 1)
    st = st.reshape(H, N, N)
    ab2 = ab_ref[0] * 2.0
    t = gt_ref[...].reshape(H, 1)
    top = ab2[0:1, :] + t
    left = ab2[1:, 0:1].reshape(1, N) + t
    inter = st + ab2[1:, 1:][None, :, :]
    out_ref[0, :, 0, :] = top
    out_ref[0, :, 1:, :] = jnp.concatenate([left[:, :, None], inter], axis=2)


def _assemble(ab, x2, x3, acc3, wc, bias2, gt):
    return pl.pallas_call(
        _assemble_body,
        grid=(B,),
        in_specs=[
            pl.BlockSpec((1, N + 1, N + 1), lambda b: (b, 0, 0)),
            pl.BlockSpec((1, NN, H), lambda b: (b, 0, 0)),
            pl.BlockSpec((1, NN, H), lambda b: (b, 0, 0)),
            pl.BlockSpec((1, NN, H), lambda b: (b, 0, 0)),
            pl.BlockSpec((3 * H, H), lambda b: (0, 0)),
            pl.BlockSpec((1, H), lambda b: (0, 0)),
            pl.BlockSpec((1, H), lambda b: (0, 0)),
        ],
        out_specs=pl.BlockSpec((1, H, N + 1, N + 1), lambda b: (b, 0, 0, 0)),
        out_shape=jax.ShapeDtypeStruct((B, H, N + 1, N + 1), jnp.float32),
        compiler_params=pltpu.CompilerParams(
            vmem_limit_bytes=100 * 1024 * 1024),
    )(ab, x2, x3, acc3, wc, bias2, gt)


def kernel(attn_bias, spatial_pos, d2_dist, a3_dist, edge_data, edge_path,
           edge_padding_mask, graph, node_data, spatial_pos_table, gt_vd,
           d2_W, d2_b, a3_W, a3_b, curv_W1, curv_b1, curv_W2, curv_b2,
           nc_W, nc_b, edge_dis_weight):
    f32 = jnp.float32
    w5 = edge_dis_weight.reshape(-1, H, H)[:MD]
    w5cat = jnp.concatenate([w5[m] for m in range(MD)], axis=1)
    bc = (curv_b2 + nc_b).reshape(1, H)
    ed = edge_data.reshape(NE, 7)

    hm, projm = _precompute(ed, curv_W1, curv_b1.reshape(1, 64), curv_W2, bc,
                            w5cat, node_data, nc_W)

    src = graph[0].astype(jnp.int32)
    dst = graph[1].astype(jnp.int32)
    tbl32 = _build_table(hm, projm, src, dst)

    v = jnp.arange(NSPT)
    s = jnp.clip(jnp.where(v == 0, 1, jnp.where(v > 1, v - 1, v)), 0, MD)
    rec = 1.0 / s.astype(f32)
    spt_ext = jnp.concatenate(
        [spatial_pos_table, jnp.repeat(rec[:, None], 16, axis=1),
         jnp.zeros((NSPT, TW - H - 16), f32)], axis=1)

    ep = edge_path.reshape(B, NN, MD).astype(jnp.int32)
    boff = (jnp.arange(B, dtype=jnp.int32) * (LP * MD))[:, None, None]
    gidx = ep * MD + boff + jnp.arange(MD, dtype=jnp.int32)[None, None, :]
    idx_e = gidx.reshape(BNN, MD).T.reshape(MD * BNN)
    sp_flat = spatial_pos.reshape(BNN).astype(jnp.int32)

    acc = _gather_acc(idx_e, sp_flat, tbl32, spt_ext)

    wc = jnp.concatenate([d2_W, a3_W, jnp.eye(H, dtype=f32)], axis=0)
    bias2 = (d2_b + a3_b).reshape(1, H)
    out = _assemble(attn_bias, d2_dist.reshape(B, NN, H),
                    a3_dist.reshape(B, NN, H), acc.reshape(B, NN, H),
                    wc, bias2, gt_vd)
    return out

# --- scband reference (transcript-rebuilt; emitter-appended) ---
"""Pipeline reference for scband-graph-attn-bias-10436770529521 (READ-ONLY COPY).

The authoritative reference and input builder live on the scoring server;
editing this copy changes nothing except your own understanding.
"""

import jax, jax.numpy as jnp
import numpy as np

def setup_inputs(seed: int = 0) -> dict:
    key = jax.random.key(seed)
    ks = jax.random.split(key, 20)
    B, N, L, H, D, MD = 16, 128, 512, 32, 768, 5
    n_spatial = 512
    inp = {}
    inp['attn_bias'] = jax.random.normal(ks[0], (B, N + 1, N + 1), dtype=jnp.float32)
    inp['spatial_pos'] = jax.random.randint(ks[1], (B, N, N), 0, n_spatial)
    inp['d2_dist'] = jax.random.normal(ks[2], (B, N, N, 32), dtype=jnp.float32)
    inp['a3_dist'] = jax.random.normal(ks[3], (B, N, N, 32), dtype=jnp.float32)
    inp['edge_data'] = jax.random.normal(ks[4], (B, L, 7), dtype=jnp.float32)
    inp['edge_path'] = jax.random.randint(ks[5], (B, N, N, MD), 0, L + 1)
    inp['edge_padding_mask'] = jnp.zeros((B, L), dtype=bool)
    inp['graph'] = jax.random.randint(ks[6], (2, B * L), 0, B * N)
    inp['node_data'] = jax.random.normal(ks[7], (B * N, D), dtype=jnp.float32) * 0.1
    std = 0.02 / float(np.sqrt(12.0))
    spt = jax.random.normal(ks[8], (n_spatial, H), dtype=jnp.float32) * 0.02
    inp['spatial_pos_table'] = spt.at[0].set(0.0)
    inp['gt_vd'] = jax.random.normal(ks[9], (1, H), dtype=jnp.float32) * 0.02
    inp['d2_W'] = jax.random.normal(ks[10], (32, H), dtype=jnp.float32) * std
    inp['d2_b'] = jnp.zeros((H,), dtype=jnp.float32)
    inp['a3_W'] = jax.random.normal(ks[11], (32, H), dtype=jnp.float32) * std
    inp['a3_b'] = jnp.zeros((H,), dtype=jnp.float32)
    inp['curv_W1'] = jax.random.normal(ks[12], (7, 64), dtype=jnp.float32) * std
    inp['curv_b1'] = jnp.zeros((64,), dtype=jnp.float32)
    inp['curv_W2'] = jax.random.normal(ks[13], (64, H), dtype=jnp.float32) * std
    inp['curv_b2'] = jnp.zeros((H,), dtype=jnp.float32)
    inp['nc_W'] = jax.random.normal(ks[14], (D, H), dtype=jnp.float32) * std
    inp['nc_b'] = jnp.zeros((H,), dtype=jnp.float32)
    inp['edge_dis_weight'] = jax.random.normal(ks[15], (128 * H * H, 1), dtype=jnp.float32) * 0.02
    return inp

def reference(attn_bias, spatial_pos, d2_dist, a3_dist, edge_data, edge_path, edge_padding_mask, graph, node_data, spatial_pos_table, gt_vd, d2_W, d2_b, a3_W, a3_b, curv_W1, curv_b1, curv_W2, curv_b2, nc_W, nc_b, edge_dis_weight):
    B, N = edge_path.shape[0], edge_path.shape[1]
    MD = edge_path.shape[-1]
    H = spatial_pos_table.shape[1]
    L = edge_padding_mask.shape[1]
    g = jnp.repeat(attn_bias[:, None, :, :], H, axis=1)
    spb = jnp.take(spatial_pos_table, spatial_pos, axis=0)
    g = g.at[:, :, 1:, 1:].add(jnp.transpose(spb, (0, 3, 1, 2)))
    t = gt_vd.reshape(1, H, 1)
    g = g.at[:, :, 1:, 0].add(t)
    g = g.at[:, :, 0, :].add(t)
    d2b = d2_dist @ d2_W + d2_b
    g = g.at[:, :, 1:, 1:].add(jnp.transpose(d2b, (0, 3, 1, 2)))
    a3b = a3_dist @ a3_W + a3_b
    g = g.at[:, :, 1:, 1:].add(jnp.transpose(a3b, (0, 3, 1, 2)))
    sp = spatial_pos
    sp = jnp.where(sp == 0, 1, sp)
    sp = jnp.where(sp > 1, sp - 1, sp)
    sp = jnp.clip(sp, 0, MD)
    h = jax.nn.relu(edge_data @ curv_W1 + curv_b1) @ curv_W2 + curv_b2
    ef_flat = h.reshape(B * L, H)
    src, dst = graph[0], graph[1]
    nfeat = (node_data[src] + node_data[dst]) @ nc_W + nc_b
    ecat = ef_flat + nfeat
    edge_feature = jnp.zeros((B, L + 1, H), dtype=ecat.dtype)
    edge_feature = edge_feature.at[:, :L, :].set(ecat.reshape(B, L, H))
    ep = edge_path.reshape(B, N * N * MD)
    edge_input = edge_feature[jnp.arange(B)[:, None], ep]
    edge_input = edge_input.reshape(B, N, N, MD, H)
    edge_input = jnp.transpose(edge_input, (3, 0, 1, 2, 4)).reshape(MD, -1, H)
    w = edge_dis_weight.reshape(-1, H, H)[:MD]
    edge_input = jnp.matmul(edge_input, w)
    edge_input = jnp.transpose(edge_input.reshape(MD, B, N, N, H), (1, 2, 3, 0, 4))
    edge_input = edge_input.sum(axis=-2) / sp.astype(jnp.float32)[..., None]
    edge_input = jnp.transpose(edge_input, (0, 3, 1, 2))
    g = g.at[:, :, 1:, 1:].add(edge_input)
    g = g + attn_bias[:, None, :, :]
    return g

if __name__ == "__main__":
    import jax
    _d = setup_inputs()
    print(jax.jit(kernel)(*tuple(_d.values())))

</pallas_src>

<mosaic_0001>
#map = affine_map<(d0, d1) -> (0, 0)>
#map1 = affine_map<(d0, d1) -> (0)>
module attributes {stable_mosaic.version = 14 : i64} {
  func.func @_table_body(%arg0: i32, %arg1: i32, %arg2: memref<8192x160xf32, #tpu.memory_space<hbm>>, %arg3: memref<2048x256xf32, #tpu.memory_space<hbm>>, %arg4: memref<8192xi32, #tpu.memory_space<hbm>>, %arg5: memref<8192xi32, #tpu.memory_space<hbm>>, %arg6: memref<41600x128xf32, #tpu.memory_space<hbm>>, %arg7: memref<64x160xf32, #tpu.memory_space<vmem>>, %arg8: memref<64x256xf32, #tpu.memory_space<vmem>>, %arg9: memref<64x256xf32, #tpu.memory_space<vmem>>, %arg10: memref<64xi32, #tpu.memory_space<vmem>>, %arg11: memref<64xi32, #tpu.memory_space<vmem>>, %arg12: memref<320x128xf32, #tpu.memory_space<vmem>>, %arg13: memref<40x128xf32, #tpu.memory_space<vmem>>, %arg14: memref<!tpu.dma_semaphore, #tpu.memory_space<semaphore_mem>>) attributes {dimension_semantics = [#tpu.dimension_semantics<core_parallel>, #tpu.dimension_semantics<subcore_parallel>], iteration_bounds = array<i64: 2, 16>, scalar_prefetch = 0 : i64, scratch_operands = 8 : i64, tpu.core_type = #tpu.core_type<sc_vector_subcore>, window_params = [{transform_indices = #map}, {transform_indices = #map}, {transform_indices = #map1}, {transform_indices = #map1}, {transform_indices = #map}]} {
    %mul3A = arith.constant 2 : i32
    %mul3A_0 = arith.muli %arg1, %mul3A : i32
    %add3A = arith.addi %mul3A_0, %arg0 : i32
    %jit3A = arith.constant 2 : i32
    %div3A = arith.divsi %add3A, %jit3A : i32
    %sign3A = arith.constant 0 : i32
    %sign3A_1 = arith.cmpi sgt, %add3A, %sign3A : i32
    %sign3A_2 = arith.extui %sign3A_1 : i1 to i32
    %sign3A_3 = arith.constant 0 : i32
    %sign3A_4 = arith.cmpi slt, %add3A, %sign3A_3 : i32
    %sign3A_5 = arith.extui %sign3A_4 : i1 to i32
    %sign3A_6 = arith.subi %sign3A_2, %sign3A_5 : i32
    %sign3A_7 = arith.constant 0 : i32
    %sign3A_8 = arith.cmpi sgt, %jit3A, %sign3A_7 : i32
    %sign3A_9 = arith.extui %sign3A_8 : i1 to i32
    %sign3A_10 = arith.constant 0 : i32
    %sign3A_11 = arith.cmpi slt, %jit3A, %sign3A_10 : i32
    %sign3A_12 = arith.extui %sign3A_11 : i1 to i32
    %sign3A_13 = arith.subi %sign3A_9, %sign3A_12 : i32
    %ne3A = arith.cmpi ne, %sign3A_6, %sign3A_13 : i32
    %rem3A = arith.remsi %add3A, %jit3A : i32
    %ne3A_14 = arith.constant 0 : i32
    %ne3A_15 = arith.cmpi ne, %rem3A, %ne3A_14 : i32
    %and3A = arith.andi %ne3A, %ne3A_15 : i1
    %sub3A = arith.constant 1 : i32
    %sub3A_16 = arith.subi %div3A, %sub3A : i32
    %select_n3A = arith.select %and3A, %sub3A_16, %div3A : i32
    %scan3A = arith.constant 0 : i32
    %scan3A_17 = arith.constant 0 : i32
    %scan3A_18 = arith.constant 4 : i32
    %scan3A_19 = arith.addi %scan3A_17, %scan3A_18 : i32
    %scan3A_20 = arith.constant 1 : i32
    %scan3A_21 = scf.for %scan3A_40 = %scan3A_17 to %scan3A_19 step %scan3A_20 iter_args(%scan3A_41 = %scan3A) -> (i32)  : i32 {
      %mul3A_42 = arith.constant 256 : i32
      %mul3A_43 = arith.muli %add3A, %mul3A_42 : i32
      %mul3A_44 = arith.constant 64 : i32
      %mul3A_45 = arith.muli %scan3A_40, %mul3A_44 : i32
      %add3A_46 = arith.addi %mul3A_43, %mul3A_45 : i32
      %dma_start3A = arith.constant 0 : i32
      %dma_start3A_47 = tpu.memref_slice %arg2[%add3A_46, %dma_start3A] : memref<8192x160xf32, #tpu.memory_space<hbm>> -> memref<64x160xf32, #tpu.memory_space<hbm>>
      %dma_start3A_48 = arith.constant 0 : i32
      %dma_start3A_49 = tpu.memref_slice %arg2[%add3A_46, %dma_start3A_48] : memref<8192x160xf32, #tpu.memory_space<hbm>> -> memref<64x160xf32, #tpu.memory_space<hbm>>
      tpu.enqueue_dma source(%dma_start3A_49 : memref<64x160xf32, #tpu.memory_space<hbm>>) target(%arg7 : memref<64x160xf32, #tpu.memory_space<vmem>>) target_semaphore(%arg14 : memref<!tpu.dma_semaphore, #tpu.memory_space<semaphore_mem>>)
      %dma_start3A_50 = tpu.memref_slice %arg4[%add3A_46] : memref<8192xi32, #tpu.memory_space<hbm>> -> memref<64xi32, #tpu.memory_space<hbm>>
      %dma_start3A_51 = tpu.memref_slice %arg4[%add3A_46] : memref<8192xi32, #tpu.memory_space<hbm>> -> memref<64xi32, #tpu.memory_space<hbm>>
      tpu.enqueue_dma source(%dma_start3A_51 : memref<64xi32, #tpu.memory_space<hbm>>) target(%arg10 : memref<64xi32, #tpu.memory_space<vmem>>) target_semaphore(%arg14 : memref<!tpu.dma_semaphore, #tpu.memory_space<semaphore_mem>>)
      %dma_start3A_52 = tpu.memref_slice %arg5[%add3A_46] : memref<8192xi32, #tpu.memory_space<hbm>> -> memref<64xi32, #tpu.memory_space<hbm>>
      %dma_start3A_53 = tpu.memref_slice %arg5[%add3A_46] : memref<8192xi32, #tpu.memory_space<hbm>> -> memref<64xi32, #tpu.memory_space<hbm>>
      tpu.enqueue_dma source(%dma_start3A_53 : memref<64xi32, #tpu.memory_space<hbm>>) target(%arg11 : memref<64xi32, #tpu.memory_space<vmem>>) target_semaphore(%arg14 : memref<!tpu.dma_semaphore, #tpu.memory_space<semaphore_mem>>)
      %dma_wait3A = arith.constant 0 : i32
      %dma_wait3A_54 = tpu.memref_slice %arg2[%add3A_46, %dma_wait3A] : memref<8192x160xf32, #tpu.memory_space<hbm>> -> memref<64x160xf32, #tpu.memory_space<hbm>>
      %dma_wait3A_55 = arith.constant 0 : i32
      %dma_wait3A_56 = tpu.memref_slice %arg2[%add3A_46, %dma_wait3A_55] : memref<8192x160xf32, #tpu.memory_space<hbm>> -> memref<64x160xf32, #tpu.memory_space<hbm>>
      tpu.wait_dma2 semaphore(%arg14 : memref<!tpu.dma_semaphore, #tpu.memory_space<semaphore_mem>>) src(%dma_wait3A_56 : memref<64x160xf32, #tpu.memory_space<hbm>>) dst(%arg7 : memref<64x160xf32, #tpu.memory_space<vmem>>)
      %dma_wait3A_57 = tpu.memref_slice %arg4[%add3A_46] : memref<8192xi32, #tpu.memory_space<hbm>> -> memref<64xi32, #tpu.memory_space<hbm>>
      %dma_wait3A_58 = tpu.memref_slice %arg4[%add3A_46] : memref<8192xi32, #tpu.memory_space<hbm>> -> memref<64xi32, #tpu.memory_space<hbm>>
      tpu.wait_dma2 semaphore(%arg14 : memref<!tpu.dma_semaphore, #tpu.memory_space<semaphore_mem>>) src(%dma_wait3A_58 : memref<64xi32, #tpu.memory_space<hbm>>) dst(%arg10 : memref<64xi32, #tpu.memory_space<vmem>>)
      %dma_wait3A_59 = tpu.memref_slice %arg5[%add3A_46] : memref<8192xi32, #tpu.memory_space<hbm>> -> memref<64xi32, #tpu.memory_space<hbm>>
      %dma_wait3A_60 = tpu.memref_slice %arg5[%add3A_46] : memref<8192xi32, #tpu.memory_space<hbm>> -> memref<64xi32, #tpu.memory_space<hbm>>
      tpu.wait_dma2 semaphore(%arg14 : memref<!tpu.dma_semaphore, #tpu.memory_space<semaphore_mem>>) src(%dma_wait3A_60 : memref<64xi32, #tpu.memory_space<hbm>>) dst(%arg11 : memref<64xi32, #tpu.memory_space<vmem>>)
      %dma_start3A_61 = arith.constant 0 : i32
      %dma_start3A_62 = arith.constant 0 : i32
      %dma_start3A_63 = tpu.memref_slice %arg3[%dma_start3A_61, %dma_start3A_62] : memref<2048x256xf32, #tpu.memory_space<hbm>> -> memref<2048x256xf32, #tpu.memory_space<hbm>>
      tpu.enqueue_indirect_dma source(%dma_start3A_63 : memref<2048x256xf32, #tpu.memory_space<hbm>>) target(%arg8 : memref<64x256xf32, #tpu.memory_space<vmem>>) offsets(%arg10 : memref<64xi32, #tpu.memory_space<vmem>>) semaphore(%arg14 : memref<!tpu.dma_semaphore, #tpu.memory_space<semaphore_mem>>)
      %dma_start3A_64 = arith.constant 0 : i32
      %dma_start3A_65 = arith.constant 0 : i32
      %dma_start3A_66 = tpu.memref_slice %arg3[%dma_start3A_64, %dma_start3A_65] : memref<2048x256xf32, #tpu.memory_space<hbm>> -> memref<2048x256xf32, #tpu.memory_space<hbm>>
      tpu.enqueue_indirect_dma source(%dma_start3A_66 : memref<2048x256xf32, #tpu.memory_space<hbm>>) target(%arg9 : memref<64x256xf32, #tpu.memory_space<vmem>>) offsets(%arg11 : memref<64xi32, #tpu.memory_space<vmem>>) semaphore(%arg14 : memref<!tpu.dma_semaphore, #tpu.memory_space<semaphore_mem>>)
      %dma_wait3A_67 = arith.constant 0 : i32
      %dma_wait3A_68 = arith.constant 0 : i32
      %dma_wait3A_69 = tpu.memref_slice %arg3[%dma_wait3A_67, %dma_wait3A_68] : memref<2048x256xf32, #tpu.memory_space<hbm>> -> memref<2048x256xf32, #tpu.memory_space<hbm>>
      tpu.wait_indirect_dma semaphore(%arg14 : memref<!tpu.dma_semaphore, #tpu.memory_space<semaphore_mem>>) src(%dma_wait3A_69 : memref<2048x256xf32, #tpu.memory_space<hbm>>) dst(%arg8 : memref<64x256xf32, #tpu.memory_space<vmem>>)
      %dma_wait3A_70 = arith.constant 0 : i32
      %dma_wait3A_71 = arith.constant 0 : i32
      %dma_wait3A_72 = tpu.memref_slice %arg3[%dma_wait3A_70, %dma_wait3A_71] : memref<2048x256xf32, #tpu.memory_space<hbm>> -> memref<2048x256xf32, #tpu.memory_space<hbm>>
      tpu.wait_indirect_dma semaphore(%arg14 : memref<!tpu.dma_semaphore, #tpu.memory_space<semaphore_mem>>) src(%dma_wait3A_72 : memref<2048x256xf32, #tpu.memory_space<hbm>>) dst(%arg9 : memref<64x256xf32, #tpu.memory_space<vmem>>)
      %scan3A_73 = arith.constant 0 : i32
      %scan3A_74 = arith.constant 0 : i32
      %scan3A_75 = arith.constant 64 : i32
      %scan3A_76 = arith.addi %scan3A_74, %scan3A_75 : i32
      %scan3A_77 = arith.constant 1 : i32
      %scan3A_78 = scf.for %scan3A_86 = %scan3A_74 to %scan3A_76 step %scan3A_77 iter_args(%scan3A_87 = %scan3A_73) -> (i32)  : i32 {
        %get3A = arith.index_cast %scan3A_86 : i32 to index
        %get3A_88 = arith.constant 0 : index
        %get3A_89 = tpu.vector_load %arg7[%get3A, %get3A_88] {strides = array<i32>} : memref<64x160xf32, #tpu.memory_space<vmem>>, vector<1x16xf32>,
        %get3A_90 = vector.shape_cast %get3A_89 : vector<1x16xf32> to vector<16xf32>
        %get3A_91 = arith.index_cast %scan3A_86 : i32 to index
        %get3A_92 = arith.constant 0 : index
        %get3A_93 = tpu.vector_load %arg8[%get3A_91, %get3A_92] {strides = array<i32>} : memref<64x256xf32, #tpu.memory_space<vmem>>, vector<1x16xf32>,
        %get3A_94 = vector.shape_cast %get3A_93 : vector<1x16xf32> to vector<16xf32>
        %add3A_95 = arith.addf %get3A_90, %get3A_94 : vector<16xf32>
        %get3A_96 = arith.index_cast %scan3A_86 : i32 to index
        %get3A_97 = arith.constant 0 : index
        %get3A_98 = tpu.vector_load %arg9[%get3A_96, %get3A_97] {strides = array<i32>} : memref<64x256xf32, #tpu.memory_space<vmem>>, vector<1x16xf32>,
        %get3A_99 = vector.shape_cast %get3A_98 : vector<1x16xf32> to vector<16xf32>
        %add3A_100 = arith.addf %add3A_95, %get3A_99 : vector<16xf32>
        %mul3A_101 = arith.constant 5 : i32
        %mul3A_102 = arith.muli %scan3A_86, %mul3A_101 : i32
        %add3A_103 = arith.constant 0 : i32
        %add3A_104 = arith.addi %mul3A_102, %add3A_103 : i32
        %swap3A = arith.index_cast %add3A_104 : i32 to index
        %swap3A_105 = arith.constant 0 : index
        %swap3A_106 = tpu.vector_load %arg12[%swap3A, %swap3A_105] {strides = array<i32>} : memref<320x128xf32, #tpu.memory_space<vmem>>, vector<1x16xf32>,
        %swap3A_107 = vector.shape_cast %swap3A_106 : vector<1x16xf32> to vector<16xf32>
        %swap3A_108 = vector.shape_cast %add3A_100 : vector<16xf32> to vector<1x16xf32>
        tpu.vector_store %arg12[%swap3A, %swap3A_105], %swap3A_108 {strides = array<i32>} : memref<320x128xf32, #tpu.memory_space<vmem>>, vector<1x16xf32>,
        %get3A_109 = arith.index_cast %scan3A_86 : i32 to index
        %get3A_110 = arith.constant 16 : index
        %get3A_111 = tpu.vector_load %arg7[%get3A_109, %get3A_110] {strides = array<i32>} : memref<64x160xf32, #tpu.memory_space<vmem>>, vector<1x16xf32>,
        %get3A_112 = vector.shape_cast %get3A_111 : vector<1x16xf32> to vector<16xf32>
        %get3A_113 = arith.index_cast %scan3A_86 : i32 to index
        %get3A_114 = arith.constant 16 : index
        %get3A_115 = tpu.vector_load %arg8[%get3A_113, %get3A_114] {strides = array<i32>} : memref<64x256xf32, #tpu.memory_space<vmem>>, vector<1x16xf32>,
        %get3A_116 = vector.shape_cast %get3A_115 : vector<1x16xf32> to vector<16xf32>
        %add3A_117 = arith.addf %get3A_112, %get3A_116 : vector<16xf32>
        %get3A_118 = arith.index_cast %scan3A_86 : i32 to index
        %get3A_119 = arith.constant 16 : index
        %get3A_120 = tpu.vector_load %arg9[%get3A_118, %get3A_119] {strides = array<i32>} : memref<64x256xf32, #tpu.memory_space<vmem>>, vector<1x16xf32>,
        %get3A_121 = vector.shape_cast %get3A_120 : vector<1x16xf32> to vector<16xf32>
        %add3A_122 = arith.addf %add3A_117, %get3A_121 : vector<16xf32>
        %mul3A_123 = arith.constant 5 : i32
        %mul3A_124 = arith.muli %scan3A_86, %mul3A_123 : i32
        %add3A_125 = arith.constant 0 : i32
        %add3A_126 = arith.addi %mul3A_124, %add3A_125 : i32
        %swap3A_127 = arith.index_cast %add3A_126 : i32 to index
        %swap3A_128 = arith.constant 16 : index
        %swap3A_129 = tpu.vector_load %arg12[%swap3A_127, %swap3A_128] {strides = array<i32>} : memref<320x128xf32, #tpu.memory_space<vmem>>, vector<1x16xf32>,
        %swap3A_130 = vector.shape_cast %swap3A_129 : vector<1x16xf32> to vector<16xf32>
        %swap3A_131 = vector.shape_cast %add3A_122 : vector<16xf32> to vector<1x16xf32>
        tpu.vector_store %arg12[%swap3A_127, %swap3A_128], %swap3A_131 {strides = array<i32>} : memref<320x128xf32, #tpu.memory_space<vmem>>, vector<1x16xf32>,
        %get3A_132 = arith.index_cast %scan3A_86 : i32 to index
        %get3A_133 = arith.constant 32 : index
        %get3A_134 = tpu.vector_load %arg7[%get3A_132, %get3A_133] {strides = array<i32>} : memref<64x160xf32, #tpu.memory_space<vmem>>, vector<1x16xf32>,
        %get3A_135 = vector.shape_cast %get3A_134 : vector<1x16xf32> to vector<16xf32>
        %get3A_136 = arith.index_cast %scan3A_86 : i32 to index
        %get3A_137 = arith.constant 32 : index
        %get3A_138 = tpu.vector_load %arg8[%get3A_136, %get3A_137] {strides = array<i32>} : memref<64x256xf32, #tpu.memory_space<vmem>>, vector<1x16xf32>,
        %get3A_139 = vector.shape_cast %get3A_138 : vector<1x16xf32> to vector<16xf32>
        %add3A_140 = arith.addf %get3A_135, %get3A_139 : vector<16xf32>
        %get3A_141 = arith.index_cast %scan3A_86 : i32 to index
        %get3A_142 = arith.constant 32 : index
        %get3A_143 = tpu.vector_load %arg9[%get3A_141, %get3A_142] {strides = array<i32>} : memref<64x256xf32, #tpu.memory_space<vmem>>, vector<1x16xf32>,
        %get3A_144 = vector.shape_cast %get3A_143 : vector<1x16xf32> to vector<16xf32>
        %add3A_145 = arith.addf %add3A_140, %get3A_144 : vector<16xf32>
        %mul3A_146 = arith.constant 5 : i32
        %mul3A_147 = arith.muli %scan3A_86, %mul3A_146 : i32
        %add3A_148 = arith.constant 1 : i32
        %add3A_149 = arith.addi %mul3A_147, %add3A_148 : i32
        %swap3A_150 = arith.index_cast %add3A_149 : i32 to index
        %swap3A_151 = arith.constant 0 : index
        %swap3A_152 = tpu.vector_load %arg12[%swap3A_150, %swap3A_151] {strides = array<i32>} : memref<320x128xf32, #tpu.memory_space<vmem>>, vector<1x16xf32>,
        %swap3A_153 = vector.shape_cast %swap3A_152 : vector<1x16xf32> to vector<16xf32>
        %swap3A_154 = vector.shape_cast %add3A_145 : vector<16xf32> to vector<1x16xf32>
        tpu.vector_store %arg12[%swap3A_150, %swap3A_151], %swap3A_154 {strides = array<i32>} : memref<320x128xf32, #tpu.memory_space<vmem>>, vector<1x16xf32>,
        %get3A_155 = arith.index_cast %scan3A_86 : i32 to index
        %get3A_156 = arith.constant 48 : index
        %get3A_157 = tpu.vector_load %arg7[%get3A_155, %get3A_156] {strides = array<i32>} : memref<64x160xf32, #tpu.memory_space<vmem>>, vector<1x16xf32>,
        %get3A_158 = vector.shape_cast %get3A_157 : vector<1x16xf32> to vector<16xf32>
        %get3A_159 = arith.index_cast %scan3A_86 : i32 to index
        %get3A_160 = arith.constant 48 : index
        %get3A_161 = tpu.vector_load %arg8[%get3A_159, %get3A_160] {strides = array<i32>} : memref<64x256xf32, #tpu.memory_space<vmem>>, vector<1x16xf32>,
        %get3A_162 = vector.shape_cast %get3A_161 : vector<1x16xf32> to vector<16xf32>
        %add3A_163 = arith.addf %get3A_158, %get3A_162 : vector<16xf32>
        %get3A_164 = arith.index_cast %scan3A_86 : i32 to index
        %get3A_165 = arith.constant 48 : index
        %get3A_166 = tpu.vector_load %arg9[%get3A_164, %get3A_165] {strides = array<i32>} : memref<64x256xf32, #tpu.memory_space<vmem>>, vector<1x16xf32>,
        %get3A_167 = vector.shape_cast %get3A_166 : vector<1x16xf32> to vector<16xf32>
        %add3A_168 = arith.addf %add3A_163, %get3A_167 : vector<16xf32>
        %mul3A_169 = arith.constant 5 : i32
        %mul3A_170 = arith.muli %scan3A_86, %mul3A_169 : i32
        %add3A_171 = arith.constant 1 : i32
        %add3A_172 = arith.addi %mul3A_170, %add3A_171 : i32
        %swap3A_173 = arith.index_cast %add3A_172 : i32 to index
        %swap3A_174 = arith.constant 16 : index
        %swap3A_175 = tpu.vector_load %arg12[%swap3A_173, %swap3A_174] {strides = array<i32>} : memref<320x128xf32, #tpu.memory_space<vmem>>, vector<1x16xf32>,
        %swap3A_176 = vector.shape_cast %swap3A_175 : vector<1x16xf32> to vector<16xf32>
        %swap3A_177 = vector.shape_cast %add3A_168 : vector<16xf32> to vector<1x16xf32>
        tpu.vector_store %arg12[%swap3A_173, %swap3A_174], %swap3A_177 {strides = array<i32>} : memref<320x128xf32, #tpu.memory_space<vmem>>, vector<1x16xf32>,
        %get3A_178 = arith.index_cast %scan3A_86 : i32 to index
        %get3A_179 = arith.constant 64 : index
        %get3A_180 = tpu.vector_load %arg7[%get3A_178, %get3A_179] {strides = array<i32>} : memref<64x160xf32, #tpu.memory_space<vmem>>, vector<1x16xf32>,
        %get3A_181 = vector.shape_cast %get3A_180 : vector<1x16xf32> to vector<16xf32>
        %get3A_182 = arith.index_cast %scan3A_86 : i32 to index
        %get3A_183 = arith.constant 64 : index
        %get3A_184 = tpu.vector_load %arg8[%get3A_182, %get3A_183] {strides = array<i32>} : memref<64x256xf32, #tpu.memory_space<vmem>>, vector<1x16xf32>,
        %get3A_185 = vector.shape_cast %get3A_184 : vector<1x16xf32> to vector<16xf32>
        %add3A_186 = arith.addf %get3A_181, %get3A_185 : vector<16xf32>
        %get3A_187 = arith.index_cast %scan3A_86 : i32 to index
        %get3A_188 = arith.constant 64 : index
        %get3A_189 = tpu.vector_load %arg9[%get3A_187, %get3A_188] {strides = array<i32>} : memref<64x256xf32, #tpu.memory_space<vmem>>, vector<1x16xf32>,
        %get3A_190 = vector.shape_cast %get3A_189 : vector<1x16xf32> to vector<16xf32>
        %add3A_191 = arith.addf %add3A_186, %get3A_190 : vector<16xf32>
        %mul3A_192 = arith.constant 5 : i32
        %mul3A_193 = arith.muli %scan3A_86, %mul3A_192 : i32
        %add3A_194 = arith.constant 2 : i32
        %add3A_195 = arith.addi %mul3A_193, %add3A_194 : i32
        %swap3A_196 = arith.index_cast %add3A_195 : i32 to index
        %swap3A_197 = arith.constant 0 : index
        %swap3A_198 = tpu.vector_load %arg12[%swap3A_196, %swap3A_197] {strides = array<i32>} : memref<320x128xf32, #tpu.memory_space<vmem>>, vector<1x16xf32>,
        %swap3A_199 = vector.shape_cast %swap3A_198 : vector<1x16xf32> to vector<16xf32>
        %swap3A_200 = vector.shape_cast %add3A_191 : vector<16xf32> to vector<1x16xf32>
        tpu.vector_store %arg12[%swap3A_196, %swap3A_197], %swap3A_200 {strides = array<i32>} : memref<320x128xf32, #tpu.memory_space<vmem>>, vector<1x16xf32>,
        %get3A_201 = arith.index_cast %scan3A_86 : i32 to index
        %get3A_202 = arith.constant 80 : index
        %get3A_203 = tpu.vector_load %arg7[%get3A_201, %get3A_202] {strides = array<i32>} : memref<64x160xf32, #tpu.memory_space<vmem>>, vector<1x16xf32>,
        %get3A_204 = vector.shape_cast %get3A_203 : vector<1x16xf32> to vector<16xf32>
        %get3A_205 = arith.index_cast %scan3A_86 : i32 to index
        %get3A_206 = arith.constant 80 : index
        %get3A_207 = tpu.vector_load %arg8[%get3A_205, %get3A_206] {strides = array<i32>} : memref<64x256xf32, #tpu.memory_space<vmem>>, vector<1x16xf32>,
        %get3A_208 = vector.shape_cast %get3A_207 : vector<1x16xf32> to vector<16xf32>
        %add3A_209 = arith.addf %get3A_204, %get3A_208 : vector<16xf32>
        %get3A_210 = arith.index_cast %scan3A_86 : i32 to index
        %get3A_211 = arith.constant 80 : index
        %get3A_212 = tpu.vector_load %arg9[%get3A_210, %get3A_211] {strides = array<i32>} : memref<64x256xf32, #tpu.memory_space<vmem>>, vector<1x16xf32>,
        %get3A_213 = vector.shape_cast %get3A_212 : vector<1x16xf32> to vector<16xf32>
        %add3A_214 = arith.addf %add3A_209, %get3A_213 : vector<16xf32>
        %mul3A_215 = arith.constant 5 : i32
        %mul3A_216 = arith.muli %scan3A_86, %mul3A_215 : i32
        %add3A_217 = arith.constant 2 : i32
        %add3A_218 = arith.addi %mul3A_216, %add3A_217 : i32
        %swap3A_219 = arith.index_cast %add3A_218 : i32 to index
        %swap3A_220 = arith.constant 16 : index
        %swap3A_221 = tpu.vector_load %arg12[%swap3A_219, %swap3A_220] {strides = array<i32>} : memref<320x128xf32, #tpu.memory_space<vmem>>, vector<1x16xf32>,
        %swap3A_222 = vector.shape_cast %swap3A_221 : vector<1x16xf32> to vector<16xf32>
        %swap3A_223 = vector.shape_cast %add3A_214 : vector<16xf32> to vector<1x16xf32>
        tpu.vector_store %arg12[%swap3A_219, %swap3A_220], %swap3A_223 {strides = array<i32>} : memref<320x128xf32, #tpu.memory_space<vmem>>, vector<1x16xf32>,
        %get3A_224 = arith.index_cast %scan3A_86 : i32 to index
        %get3A_225 = arith.constant 96 : index
        %get3A_226 = tpu.vector_load %arg7[%get3A_224, %get3A_225] {strides = array<i32>} : memref<64x160xf32, #tpu.memory_space<vmem>>, vector<1x16xf32>,
        %get3A_227 = vector.shape_cast %get3A_226 : vector<1x16xf32> to vector<16xf32>
        %get3A_228 = arith.index_cast %scan3A_86 : i32 to index
        %get3A_229 = arith.constant 96 : index
        %get3A_230 = tpu.vector_load %arg8[%get3A_228, %get3A_229] {strides = array<i32>} : memref<64x256xf32, #tpu.memory_space<vmem>>, vector<1x16xf32>,
        %get3A_231 = vector.shape_cast %get3A_230 : vector<1x16xf32> to vector<16xf32>
        %add3A_232 = arith.addf %get3A_227, %get3A_231 : vector<16xf32>
        %get3A_233 = arith.index_cast %scan3A_86 : i32 to index
        %get3A_234 = arith.constant 96 : index
        %get3A_235 = tpu.vector_load %arg9[%get3A_233, %get3A_234] {strides = array<i32>} : memref<64x256xf32, #tpu.memory_space<vmem>>, vector<1x16xf32>,
        %get3A_236 = vector.shape_cast %get3A_235 : vector<1x16xf32> to vector<16xf32>
        %add3A_237 = arith.addf %add3A_232, %get3A_236 : vector<16xf32>
        %mul3A_238 = arith.constant 5 : i32
        %mul3A_239 = arith.muli %scan3A_86, %mul3A_238 : i32
        %add3A_240 = arith.constant 3 : i32
        %add3A_241 = arith.addi %mul3A_239, %add3A_240 : i32
        %swap3A_242 = arith.index_cast %add3A_241 : i32 to index
        %swap3A_243 = arith.constant 0 : index
        %swap3A_244 = tpu.vector_load %arg12[%swap3A_242, %swap3A_243] {strides = array<i32>} : memref<320x128xf32, #tpu.memory_space<vmem>>, vector<1x16xf32>,
        %swap3A_245 = vector.shape_cast %swap3A_244 : vector<1x16xf32> to vector<16xf32>
        %swap3A_246 = vector.shape_cast %add3A_237 : vector<16xf32> to vector<1x16xf32>
        tpu.vector_store %arg12[%swap3A_242, %swap3A_243], %swap3A_246 {strides = array<i32>} : memref<320x128xf32, #tpu.memory_space<vmem>>, vector<1x16xf32>,
        %get3A_247 = arith.index_cast %scan3A_86 : i32 to index
        %get3A_248 = arith.constant 112 : index
        %get3A_249 = tpu.vector_load %arg7[%get3A_247, %get3A_248] {strides = array<i32>} : memref<64x160xf32, #tpu.memory_space<vmem>>, vector<1x16xf32>,
        %get3A_250 = vector.shape_cast %get3A_249 : vector<1x16xf32> to vector<16xf32>
        %get3A_251 = arith.index_cast %scan3A_86 : i32 to index
        %get3A_252 = arith.constant 112 : index
        %get3A_253 = tpu.vector_load %arg8[%get3A_251, %get3A_252] {strides = array<i32>} : memref<64x256xf32, #tpu.memory_space<vmem>>, vector<1x16xf32>,
        %get3A_254 = vector.shape_cast %get3A_253 : vector<1x16xf32> to vector<16xf32>
        %add3A_255 = arith.addf %get3A_250, %get3A_254 : vector<16xf32>
        %get3A_256 = arith.index_cast %scan3A_86 : i32 to index
        %get3A_257 = arith.constant 112 : index
        %get3A_258 = tpu.vector_load %arg9[%get3A_256, %get3A_257] {strides = array<i32>} : memref<64x256xf32, #tpu.memory_space<vmem>>, vector<1x16xf32>,
        %get3A_259 = vector.shape_cast %get3A_258 : vector<1x16xf32> to vector<16xf32>
        %add3A_260 = arith.addf %add3A_255, %get3A_259 : vector<16xf32>
        %mul3A_261 = arith.constant 5 : i32
        %mul3A_262 = arith.muli %scan3A_86, %mul3A_261 : i32
        %add3A_263 = arith.constant 3 : i32
        %add3A_264 = arith.addi %mul3A_262, %add3A_263 : i32
        %swap3A_265 = arith.index_cast %add3A_264 : i32 to index
        %swap3A_266 = arith.constant 16 : index
        %swap3A_267 = tpu.vector_load %arg12[%swap3A_265, %swap3A_266] {strides = array<i32>} : memref<320x128xf32, #tpu.memory_space<vmem>>, vector<1x16xf32>,
        %swap3A_268 = vector.shape_cast %swap3A_267 : vector<1x16xf32> to vector<16xf32>
        %swap3A_269 = vector.shape_cast %add3A_260 : vector<16xf32> to vector<1x16xf32>
        tpu.vector_store %arg12[%swap3A_265, %swap3A_266], %swap3A_269 {strides = array<i32>} : memref<320x128xf32, #tpu.memory_space<vmem>>, vector<1x16xf32>,
        %get3A_270 = arith.index_cast %scan3A_86 : i32 to index
        %get3A_271 = arith.constant 128 : index
        %get3A_272 = tpu.vector_load %arg7[%get3A_270, %get3A_271] {strides = array<i32>} : memref<64x160xf32, #tpu.memory_space<vmem>>, vector<1x16xf32>,
        %get3A_273 = vector.shape_cast %get3A_272 : vector<1x16xf32> to vector<16xf32>
        %get3A_274 = arith.index_cast %scan3A_86 : i32 to index
        %get3A_275 = arith.constant 128 : index
        %get3A_276 = tpu.vector_load %arg8[%get3A_274, %get3A_275] {strides = array<i32>} : memref<64x256xf32, #tpu.memory_space<vmem>>, vector<1x16xf32>,
        %get3A_277 = vector.shape_cast %get3A_276 : vector<1x16xf32> to vector<16xf32>
        %add3A_278 = arith.addf %get3A_273, %get3A_277 : vector<16xf32>
        %get3A_279 = arith.index_cast %scan3A_86 : i32 to index
        %get3A_280 = arith.constant 128 : index
        %get3A_281 = tpu.vector_load %arg9[%get3A_279, %get3A_280] {strides = array<i32>} : memref<64x256xf32, #tpu.memory_space<vmem>>, vector<1x16xf32>,
        %get3A_282 = vector.shape_cast %get3A_281 : vector<1x16xf32> to vector<16xf32>
        %add3A_283 = arith.addf %add3A_278, %get3A_282 : vector<16xf32>
        %mul3A_284 = arith.constant 5 : i32
        %mul3A_285 = arith.muli %scan3A_86, %mul3A_284 : i32
        %add3A_286 = arith.constant 4 : i32
        %add3A_287 = arith.addi %mul3A_285, %add3A_286 : i32
        %swap3A_288 = arith.index_cast %add3A_287 : i32 to index
        %swap3A_289 = arith.constant 0 : index
        %swap3A_290 = tpu.vector_load %arg12[%swap3A_288, %swap3A_289] {strides = array<i32>} : memref<320x128xf32, #tpu.memory_space<vmem>>, vector<1x16xf32>,
        %swap3A_291 = vector.shape_cast %swap3A_290 : vector<1x16xf32> to vector<16xf32>
        %swap3A_292 = vector.shape_cast %add3A_283 : vector<16xf32> to vector<1x16xf32>
        tpu.vector_store %arg12[%swap3A_288, %swap3A_289], %swap3A_292 {strides = array<i32>} : memref<320x128xf32, #tpu.memory_space<vmem>>, vector<1x16xf32>,
        %get3A_293 = arith.index_cast %scan3A_86 : i32 to index
        %get3A_294 = arith.constant 144 : index
        %get3A_295 = tpu.vector_load %arg7[%get3A_293, %get3A_294] {strides = array<i32>} : memref<64x160xf32, #tpu.memory_space<vmem>>, vector<1x16xf32>,
        %get3A_296 = vector.shape_cast %get3A_295 : vector<1x16xf32> to vector<16xf32>
        %get3A_297 = arith.index_cast %scan3A_86 : i32 to index
        %get3A_298 = arith.constant 144 : index
        %get3A_299 = tpu.vector_load %arg8[%get3A_297, %get3A_298] {strides = array<i32>} : memref<64x256xf32, #tpu.memory_space<vmem>>, vector<1x16xf32>,
        %get3A_300 = vector.shape_cast %get3A_299 : vector<1x16xf32> to vector<16xf32>
        %add3A_301 = arith.addf %get3A_296, %get3A_300 : vector<16xf32>
        %get3A_302 = arith.index_cast %scan3A_86 : i32 to index
        %get3A_303 = arith.constant 144 : index
        %get3A_304 = tpu.vector_load %arg9[%get3A_302, %get3A_303] {strides = array<i32>} : memref<64x256xf32, #tpu.memory_space<vmem>>, vector<1x16xf32>,
        %get3A_305 = vector.shape_cast %get3A_304 : vector<1x16xf32> to vector<16xf32>
        %add3A_306 = arith.addf %add3A_301, %get3A_305 : vector<16xf32>
        %mul3A_307 = arith.constant 5 : i32
        %mul3A_308 = arith.muli %scan3A_86, %mul3A_307 : i32
        %add3A_309 = arith.constant 4 : i32
        %add3A_310 = arith.addi %mul3A_308, %add3A_309 : i32
        %swap3A_311 = arith.index_cast %add3A_310 : i32 to index
        %swap3A_312 = arith.constant 16 : index
        %swap3A_313 = tpu.vector_load %arg12[%swap3A_311, %swap3A_312] {strides = array<i32>} : memref<320x128xf32, #tpu.memory_space<vmem>>, vector<1x16xf32>,
        %swap3A_314 = vector.shape_cast %swap3A_313 : vector<1x16xf32> to vector<16xf32>
        %swap3A_315 = vector.shape_cast %add3A_306 : vector<16xf32> to vector<1x16xf32>
        tpu.vector_store %arg12[%swap3A_311, %swap3A_312], %swap3A_315 {strides = array<i32>} : memref<320x128xf32, #tpu.memory_space<vmem>>, vector<1x16xf32>,
        %scan3A_316 = arith.constant 0 : i32
        scf.yield %scan3A_316 : i32
      }
      %scan3A_79 = arith.constant 64 : i32
      %mul3A_80 = arith.constant 8 : i32
      %mul3A_81 = arith.muli %select_n3A, %mul3A_80 : i32
      %add3A_82 = arith.addi %add3A_46, %mul3A_81 : i32
      %mul3A_83 = arith.constant 5 : i32
      %mul3A_84 = arith.muli %add3A_82, %mul3A_83 : i32
      "tpu.region"() ({
        %run_scoped3A = tpu.sem_alloc : memref<!tpu.dma_semaphore, #tpu.memory_space<semaphore_mem>>
        %dma_start3A_86 = arith.constant 0 : i32
        %dma_start3A_87 = tpu.memref_slice %arg6[%mul3A_84, %dma_start3A_86] : memref<41600x128xf32, #tpu.memory_space<hbm>> -> memref<320x128xf32, #tpu.memory_space<hbm>>
        %dma_start3A_88 = arith.constant 0 : i32
        %dma_start3A_89 = tpu.memref_slice %arg6[%mul3A_84, %dma_start3A_88] : memref<41600x128xf32, #tpu.memory_space<hbm>> -> memref<320x128xf32, #tpu.memory_space<hbm>>
        tpu.enqueue_dma source(%arg12 : memref<320x128xf32, #tpu.memory_space<vmem>>) target(%dma_start3A_89 : memref<320x128xf32, #tpu.memory_space<hbm>>) target_semaphore(%run_scoped3A : memref<!tpu.dma_semaphore, #tpu.memory_space<semaphore_mem>>)
        %dma_wait3A_90 = arith.constant 0 : i32
        %dma_wait3A_91 = tpu.memref_slice %arg6[%mul3A_84, %dma_wait3A_90] : memref<41600x128xf32, #tpu.memory_space<hbm>> -> memref<320x128xf32, #tpu.memory_space<hbm>>
        %dma_wait3A_92 = arith.constant 0 : i32
        %dma_wait3A_93 = tpu.memref_slice %arg6[%mul3A_84, %dma_wait3A_92] : memref<41600x128xf32, #tpu.memory_space<hbm>> -> memref<320x128xf32, #tpu.memory_space<hbm>>
        tpu.wait_dma2 semaphore(%run_scoped3A : memref<!tpu.dma_semaphore, #tpu.memory_space<semaphore_mem>>) src(%arg12 : memref<320x128xf32, #tpu.memory_space<vmem>>) dst(%dma_wait3A_93 : memref<320x128xf32, #tpu.memory_space<hbm>>)
        tpu.yield
      }) : () -> ()
      %scan3A_85 = arith.constant 0 : i32
      scf.yield %scan3A_85 : i32
    }
    %scan3A_22 = arith.constant 4 : i32
    %jit3A_23 = arith.constant 2 : i32
    %eq3A = arith.constant 0 : i32
    %eq3A_24 = arith.cmpi eq, %jit3A_23, %eq3A : i32
    %jit3A_25 = arith.constant 1 : i32
    %select_n3A_26 = arith.select %eq3A_24, %jit3A_25, %jit3A_23 : i32
    %rem3A_27 = arith.remsi %add3A, %select_n3A_26 : i32
    %ne3A_28 = arith.constant 0 : i32
    %ne3A_29 = arith.cmpi ne, %rem3A_27, %ne3A_28 : i32
    %lt3A = arith.constant 0 : i32
    %lt3A_30 = arith.cmpi slt, %rem3A_27, %lt3A : i32
    %lt3A_31 = arith.constant 0 : i32
    %lt3A_32 = arith.cmpi slt, %select_n3A_26, %lt3A_31 : i32
    %ne3A_33 = arith.xori %lt3A_30, %lt3A_32 : i1
    %and3A_34 = arith.andi %ne3A_33, %ne3A_29 : i1
    %add3A_35 = arith.addi %rem3A_27, %select_n3A_26 : i32
    %select_n3A_36 = arith.select %and3A_34, %add3A_35, %rem3A_27 : i32
    %eq3A_37 = arith.constant 1 : i32
    %eq3A_38 = arith.cmpi eq, %select_n3A_36, %eq3A_37 : i32
    %convert_element_type3A = arith.extui %eq3A_38 : i1 to i32
    %cond3A = arith.constant 0 : i32
    %cond3A_39 = arith.cmpi ne, %convert_element_type3A, %cond3A : i32
    scf.if %cond3A_39 {
      %scan3A_40 = arith.constant 0 : i32
      %scan3A_41 = arith.constant 0 : i32
      %scan3A_42 = arith.constant 40 : i32
      %scan3A_43 = arith.addi %scan3A_41, %scan3A_42 : i32
      %scan3A_44 = arith.constant 1 : i32
      %scan3A_45 = scf.for %scan3A_53 = %scan3A_41 to %scan3A_43 step %scan3A_44 iter_args(%scan3A_54 = %scan3A_40) -> (i32)  : i32 {
        %broadcast_in_dim3A = arith.constant 0.000000e+00 : f32
        %broadcast_in_dim3A_55 = vector.broadcast %broadcast_in_dim3A : f32 to vector<16xf32>
        %swap3A = arith.index_cast %scan3A_53 : i32 to index
        %swap3A_56 = arith.constant 0 : index
        %swap3A_57 = tpu.vector_load %arg13[%swap3A, %swap3A_56] {strides = array<i32>} : memref<40x128xf32, #tpu.memory_space<vmem>>, vector<1x16xf32>,
        %swap3A_58 = vector.shape_cast %swap3A_57 : vector<1x16xf32> to vector<16xf32>
        %swap3A_59 = vector.shape_cast %broadcast_in_dim3A_55 : vector<16xf32> to vector<1x16xf32>
        tpu.vector_store %arg13[%swap3A, %swap3A_56], %swap3A_59 {strides = array<i32>} : memref<40x128xf32, #tpu.memory_space<vmem>>, vector<1x16xf32>,
        %broadcast_in_dim3A_60 = arith.constant 0.000000e+00 : f32
        %broadcast_in_dim3A_61 = vector.broadcast %broadcast_in_dim3A_60 : f32 to vector<16xf32>
        %swap3A_62 = arith.index_cast %scan3A_53 : i32 to index
        %swap3A_63 = arith.constant 16 : index
        %swap3A_64 = tpu.vector_load %arg13[%swap3A_62, %swap3A_63] {strides = array<i32>} : memref<40x128xf32, #tpu.memory_space<vmem>>, vector<1x16xf32>,
        %swap3A_65 = vector.shape_cast %swap3A_64 : vector<1x16xf32> to vector<16xf32>
        %swap3A_66 = vector.shape_cast %broadcast_in_dim3A_61 : vector<16xf32> to vector<1x16xf32>
        tpu.vector_store %arg13[%swap3A_62, %swap3A_63], %swap3A_66 {strides = array<i32>} : memref<40x128xf32, #tpu.memory_space<vmem>>, vector<1x16xf32>,
        %broadcast_in_dim3A_67 = arith.constant 0.000000e+00 : f32
        %broadcast_in_dim3A_68 = vector.broadcast %broadcast_in_dim3A_67 : f32 to vector<16xf32>
        %swap3A_69 = arith.index_cast %scan3A_53 : i32 to index
        %swap3A_70 = arith.constant 32 : index
        %swap3A_71 = tpu.vector_load %arg13[%swap3A_69, %swap3A_70] {strides = array<i32>} : memref<40x128xf32, #tpu.memory_space<vmem>>, vector<1x16xf32>,
        %swap3A_72 = vector.shape_cast %swap3A_71 : vector<1x16xf32> to vector<16xf32>
        %swap3A_73 = vector.shape_cast %broadcast_in_dim3A_68 : vector<16xf32> to vector<1x16xf32>
        tpu.vector_store %arg13[%swap3A_69, %swap3A_70], %swap3A_73 {strides = array<i32>} : memref<40x128xf32, #tpu.memory_space<vmem>>, vector<1x16xf32>,
        %broadcast_in_dim3A_74 = arith.constant 0.000000e+00 : f32
        %broadcast_in_dim3A_75 = vector.broadcast %broadcast_in_dim3A_74 : f32 to vector<16xf32>
        %swap3A_76 = arith.index_cast %scan3A_53 : i32 to index
        %swap3A_77 = arith.constant 48 : index
        %swap3A_78 = tpu.vector_load %arg13[%swap3A_76, %swap3A_77] {strides = array<i32>} : memref<40x128xf32, #tpu.memory_space<vmem>>, vector<1x16xf32>,
        %swap3A_79 = vector.shape_cast %swap3A_78 : vector<1x16xf32> to vector<16xf32>
        %swap3A_80 = vector.shape_cast %broadcast_in_dim3A_75 : vector<16xf32> to vector<1x16xf32>
        tpu.vector_store %arg13[%swap3A_76, %swap3A_77], %swap3A_80 {strides = array<i32>} : memref<40x128xf32, #tpu.memory_space<vmem>>, vector<1x16xf32>,
        %broadcast_in_dim3A_81 = arith.constant 0.000000e+00 : f32
        %broadcast_in_dim3A_82 = vector.broadcast %broadcast_in_dim3A_81 : f32 to vector<16xf32>
        %swap3A_83 = arith.index_cast %scan3A_53 : i32 to index
        %swap3A_84 = arith.constant 64 : index
        %swap3A_85 = tpu.vector_load %arg13[%swap3A_83, %swap3A_84] {strides = array<i32>} : memref<40x128xf32, #tpu.memory_space<vmem>>, vector<1x16xf32>,
        %swap3A_86 = vector.shape_cast %swap3A_85 : vector<1x16xf32> to vector<16xf32>
        %swap3A_87 = vector.shape_cast %broadcast_in_dim3A_82 : vector<16xf32> to vector<1x16xf32>
        tpu.vector_store %arg13[%swap3A_83, %swap3A_84], %swap3A_87 {strides = array<i32>} : memref<40x128xf32, #tpu.memory_space<vmem>>, vector<1x16xf32>,
        %broadcast_in_dim3A_88 = arith.constant 0.000000e+00 : f32
        %broadcast_in_dim3A_89 = vector.broadcast %broadcast_in_dim3A_88 : f32 to vector<16xf32>
        %swap3A_90 = arith.index_cast %scan3A_53 : i32 to index
        %swap3A_91 = arith.constant 80 : index
        %swap3A_92 = tpu.vector_load %arg13[%swap3A_90, %swap3A_91] {strides = array<i32>} : memref<40x128xf32, #tpu.memory_space<vmem>>, vector<1x16xf32>,
        %swap3A_93 = vector.shape_cast %swap3A_92 : vector<1x16xf32> to vector<16xf32>
        %swap3A_94 = vector.shape_cast %broadcast_in_dim3A_89 : vector<16xf32> to vector<1x16xf32>
        tpu.vector_store %arg13[%swap3A_90, %swap3A_91], %swap3A_94 {strides = array<i32>} : memref<40x128xf32, #tpu.memory_space<vmem>>, vector<1x16xf32>,
        %broadcast_in_dim3A_95 = arith.constant 0.000000e+00 : f32
        %broadcast_in_dim3A_96 = vector.broadcast %broadcast_in_dim3A_95 : f32 to vector<16xf32>
        %swap3A_97 = arith.index_cast %scan3A_53 : i32 to index
        %swap3A_98 = arith.constant 96 : index
        %swap3A_99 = tpu.vector_load %arg13[%swap3A_97, %swap3A_98] {strides = array<i32>} : memref<40x128xf32, #tpu.memory_space<vmem>>, vector<1x16xf32>,
        %swap3A_100 = vector.shape_cast %swap3A_99 : vector<1x16xf32> to vector<16xf32>
        %swap3A_101 = vector.shape_cast %broadcast_in_dim3A_96 : vector<16xf32> to vector<1x16xf32>
        tpu.vector_store %arg13[%swap3A_97, %swap3A_98], %swap3A_101 {strides = array<i32>} : memref<40x128xf32, #tpu.memory_space<vmem>>, vector<1x16xf32>,
        %broadcast_in_dim3A_102 = arith.constant 0.000000e+00 : f32
        %broadcast_in_dim3A_103 = vector.broadcast %broadcast_in_dim3A_102 : f32 to vector<16xf32>
        %swap3A_104 = arith.index_cast %scan3A_53 : i32 to index
        %swap3A_105 = arith.constant 112 : index
        %swap3A_106 = tpu.vector_load %arg13[%swap3A_104, %swap3A_105] {strides = array<i32>} : memref<40x128xf32, #tpu.memory_space<vmem>>, vector<1x16xf32>,
        %swap3A_107 = vector.shape_cast %swap3A_106 : vector<1x16xf32> to vector<16xf32>
        %swap3A_108 = vector.shape_cast %broadcast_in_dim3A_103 : vector<16xf32> to vector<1x16xf32>
        tpu.vector_store %arg13[%swap3A_104, %swap3A_105], %swap3A_108 {strides = array<i32>} : memref<40x128xf32, #tpu.memory_space<vmem>>, vector<1x16xf32>,
        %scan3A_109 = arith.constant 0 : i32
        scf.yield %scan3A_109 : i32
      }
      %scan3A_46 = arith.constant 40 : i32
      %mul3A_47 = arith.constant 520 : i32
      %mul3A_48 = arith.muli %select_n3A, %mul3A_47 : i32
      %add3A_49 = arith.constant 512 : i32
      %add3A_50 = arith.addi %mul3A_48, %add3A_49 : i32
      %mul3A_51 = arith.constant 5 : i32
      %mul3A_52 = arith.muli %add3A_50, %mul3A_51 : i32
      "tpu.region"() ({
        %run_scoped3A = tpu.sem_alloc : memref<!tpu.dma_semaphore, #tpu.memory_space<semaphore_mem>>
        %dma_start3A = arith.constant 0 : i32
        %dma_start3A_53 = tpu.memref_slice %arg6[%mul3A_52, %dma_start3A] : memref<41600x128xf32, #tpu.memory_space<hbm>> -> memref<40x128xf32, #tpu.memory_space<hbm>>
        %dma_start3A_54 = arith.constant 0 : i32
        %dma_start3A_55 = tpu.memref_slice %arg6[%mul3A_52, %dma_start3A_54] : memref<41600x128xf32, #tpu.memory_space<hbm>> -> memref<40x128xf32, #tpu.memory_space<hbm>>
        tpu.enqueue_dma source(%arg13 : memref<40x128xf32, #tpu.memory_space<vmem>>) target(%dma_start3A_55 : memref<40x128xf32, #tpu.memory_space<hbm>>) target_semaphore(%run_scoped3A : memref<!tpu.dma_semaphore, #tpu.memory_space<semaphore_mem>>)
        %dma_wait3A = arith.constant 0 : i32
        %dma_wait3A_56 = tpu.memref_slice %arg6[%mul3A_52, %dma_wait3A] : memref<41600x128xf32, #tpu.memory_space<hbm>> -> memref<40x128xf32, #tpu.memory_space<hbm>>
        %dma_wait3A_57 = arith.constant 0 : i32
        %dma_wait3A_58 = tpu.memref_slice %arg6[%mul3A_52, %dma_wait3A_57] : memref<41600x128xf32, #tpu.memory_space<hbm>> -> memref<40x128xf32, #tpu.memory_space<hbm>>
        tpu.wait_dma2 semaphore(%run_scoped3A : memref<!tpu.dma_semaphore, #tpu.memory_space<semaphore_mem>>) src(%arg13 : memref<40x128xf32, #tpu.memory_space<vmem>>) dst(%dma_wait3A_58 : memref<40x128xf32, #tpu.memory_space<hbm>>)
        tpu.yield
      }) : () -> ()
    } else {
    }
    return
  }
}

#map = affine_map<(d0, d1) -> (0)>
#map1 = affine_map<(d0, d1) -> (0, 0)>
module attributes {stable_mosaic.version = 14 : i64} {
  func.func @_gather_body(%arg0: i32, %arg1: i32, %arg2: memref<1310720xi32, #tpu.memory_space<hbm>>, %arg3: memref<262144xi32, #tpu.memory_space<hbm>>, %arg4: memref<41600x128xf32, #tpu.memory_space<hbm>>, %arg5: memref<512x128xf32, #tpu.memory_space<hbm>>, %arg6: memref<262144x32xf32, #tpu.memory_space<hbm>>, %arg7: memref<64x128xf32, #tpu.memory_space<vmem>>, %arg8: memref<64x128xf32, #tpu.memory_space<vmem>>, %arg9: memref<64x128xf32, #tpu.memory_space<vmem>>, %arg10: memref<64x128xf32, #tpu.memory_space<vmem>>, %arg11: memref<64x128xf32, #tpu.memory_space<vmem>>, %arg12: memref<64x128xf32, #tpu.memory_space<vmem>>, %arg13: memref<64x128xf32, #tpu.memory_space<vmem>>, %arg14: memref<64x128xf32, #tpu.memory_space<vmem>>, %arg15: memref<64x128xf32, #tpu.memory_space<vmem>>, %arg16: memref<64x128xf32, #tpu.memory_space<vmem>>, %arg17: memref<64x128xf32, #tpu.memory_space<vmem>>, %arg18: memref<64x128xf32, #tpu.memory_space<vmem>>, %arg19: memref<64x32xf32, #tpu.memory_space<vmem>>, %arg20: memref<64x32xf32, #tpu.memory_space<vmem>>, %arg21: memref<64xi32, #tpu.memory_space<vmem>>, %arg22: memref<64xi32, #tpu.memory_space<vmem>>, %arg23: memref<64xi32, #tpu.memory_space<vmem>>, %arg24: memref<64xi32, #tpu.memory_space<vmem>>, %arg25: memref<64xi32, #tpu.memory_space<vmem>>, %arg26: memref<64xi32, #tpu.memory_space<vmem>>, %arg27: memref<64xi32, #tpu.memory_space<vmem>>, %arg28: memref<64xi32, #tpu.memory_space<vmem>>, %arg29: memref<64xi32, #tpu.memory_space<vmem>>, %arg30: memref<64xi32, #tpu.memory_space<vmem>>, %arg31: memref<64xi32, #tpu.memory_space<vmem>>, %arg32: memref<64xi32, #tpu.memory_space<vmem>>, %arg33: memref<!tpu.dma_semaphore, #tpu.memory_space<semaphore_mem>>, %arg34: memref<!tpu.dma_semaphore, #tpu.memory_space<semaphore_mem>>, %arg35: memref<!tpu.dma_semaphore, #tpu.memory_space<semaphore_mem>>, %arg36: memref<!tpu.dma_semaphore, #tpu.memory_space<semaphore_mem>>, %arg37: memref<!tpu.dma_semaphore, #tpu.memory_space<semaphore_mem>>, %arg38: memref<!tpu.dma_semaphore, #tpu.memory_space<semaphore_mem>>) attributes {dimension_semantics = [#tpu.dimension_semantics<core_parallel>, #tpu.dimension_semantics<subcore_parallel>], iteration_bounds = array<i64: 2, 16>, scalar_prefetch = 0 : i64, scratch_operands = 32 : i64, tpu.core_type = #tpu.core_type<sc_vector_subcore>, window_params = [{transform_indices = #map}, {transform_indices = #map}, {transform_indices = #map1}, {transform_indices = #map1}, {transform_indices = #map1}]} {
    %mul3A = arith.constant 2 : i32
    %mul3A_0 = arith.muli %arg1, %mul3A : i32
    %add3A = arith.addi %mul3A_0, %arg0 : i32
    %mul3A_1 = arith.constant 8192 : i32
    %mul3A_2 = arith.muli %add3A, %mul3A_1 : i32
    %add3A_3 = arith.constant 0 : i32
    %add3A_4 = arith.addi %mul3A_2, %add3A_3 : i32
    %add3A_5 = arith.constant 0 : i32
    %add3A_6 = arith.addi %add3A_5, %add3A_4 : i32
    %add3A_7 = arith.constant 262144 : i32
    %add3A_8 = arith.addi %add3A_7, %add3A_4 : i32
    %add3A_9 = arith.constant 524288 : i32
    %add3A_10 = arith.addi %add3A_9, %add3A_4 : i32
    %add3A_11 = arith.constant 786432 : i32
    %add3A_12 = arith.addi %add3A_11, %add3A_4 : i32
    %add3A_13 = arith.constant 1048576 : i32
    %add3A_14 = arith.addi %add3A_13, %add3A_4 : i32
    %dma_start3A = tpu.memref_slice %arg2[%add3A_6] : memref<1310720xi32, #tpu.memory_space<hbm>> -> memref<64xi32, #tpu.memory_space<hbm>>
    %dma_start3A_15 = tpu.memref_slice %arg2[%add3A_6] : memref<1310720xi32, #tpu.memory_space<hbm>> -> memref<64xi32, #tpu.memory_space<hbm>>
    tpu.enqueue_dma source(%dma_start3A_15 : memref<64xi32, #tpu.memory_space<hbm>>) target(%arg21 : memref<64xi32, #tpu.memory_space<vmem>>) target_semaphore(%arg33 : memref<!tpu.dma_semaphore, #tpu.memory_space<semaphore_mem>>)
    %dma_start3A_16 = tpu.memref_slice %arg2[%add3A_8] : memref<1310720xi32, #tpu.memory_space<hbm>> -> memref<64xi32, #tpu.memory_space<hbm>>
    %dma_start3A_17 = tpu.memref_slice %arg2[%add3A_8] : memref<1310720xi32, #tpu.memory_space<hbm>> -> memref<64xi32, #tpu.memory_space<hbm>>
    tpu.enqueue_dma source(%dma_start3A_17 : memref<64xi32, #tpu.memory_space<hbm>>) target(%arg22 : memref<64xi32, #tpu.memory_space<vmem>>) target_semaphore(%arg33 : memref<!tpu.dma_semaphore, #tpu.memory_space<semaphore_mem>>)
    %dma_start3A_18 = tpu.memref_slice %arg2[%add3A_10] : memref<1310720xi32, #tpu.memory_space<hbm>> -> memref<64xi32, #tpu.memory_space<hbm>>
    %dma_start3A_19 = tpu.memref_slice %arg2[%add3A_10] : memref<1310720xi32, #tpu.memory_space<hbm>> -> memref<64xi32, #tpu.memory_space<hbm>>
    tpu.enqueue_dma source(%dma_start3A_19 : memref<64xi32, #tpu.memory_space<hbm>>) target(%arg23 : memref<64xi32, #tpu.memory_space<vmem>>) target_semaphore(%arg33 : memref<!tpu.dma_semaphore, #tpu.memory_space<semaphore_mem>>)
    %dma_start3A_20 = tpu.memref_slice %arg2[%add3A_12] : memref<1310720xi32, #tpu.memory_space<hbm>> -> memref<64xi32, #tpu.memory_space<hbm>>
    %dma_start3A_21 = tpu.memref_slice %arg2[%add3A_12] : memref<1310720xi32, #tpu.memory_space<hbm>> -> memref<64xi32, #tpu.memory_space<hbm>>
    tpu.enqueue_dma source(%dma_start3A_21 : memref<64xi32, #tpu.memory_space<hbm>>) target(%arg24 : memref<64xi32, #tpu.memory_space<vmem>>) target_semaphore(%arg33 : memref<!tpu.dma_semaphore, #tpu.memory_space<semaphore_mem>>)
    %dma_start3A_22 = tpu.memref_slice %arg2[%add3A_14] : memref<1310720xi32, #tpu.memory_space<hbm>> -> memref<64xi32, #tpu.memory_space<hbm>>
    %dma_start3A_23 = tpu.memref_slice %arg2[%add3A_14] : memref<1310720xi32, #tpu.memory_space<hbm>> -> memref<64xi32, #tpu.memory_space<hbm>>
    tpu.enqueue_dma source(%dma_start3A_23 : memref<64xi32, #tpu.memory_space<hbm>>) target(%arg25 : memref<64xi32, #tpu.memory_space<vmem>>) target_semaphore(%arg33 : memref<!tpu.dma_semaphore, #tpu.memory_space<semaphore_mem>>)
    %dma_start3A_24 = tpu.memref_slice %arg3[%add3A_4] : memref<262144xi32, #tpu.memory_space<hbm>> -> memref<64xi32, #tpu.memory_space<hbm>>
    %dma_start3A_25 = tpu.memref_slice %arg3[%add3A_4] : memref<262144xi32, #tpu.memory_space<hbm>> -> memref<64xi32, #tpu.memory_space<hbm>>
    tpu.enqueue_dma source(%dma_start3A_25 : memref<64xi32, #tpu.memory_space<hbm>>) target(%arg31 : memref<64xi32, #tpu.memory_space<vmem>>) target_semaphore(%arg33 : memref<!tpu.dma_semaphore, #tpu.memory_space<semaphore_mem>>)
    %add3A_26 = arith.constant 0 : i32
    %add3A_27 = arith.addi %mul3A_2, %add3A_26 : i32
    %add3A_28 = arith.constant 0 : i32
    %add3A_29 = arith.addi %add3A_28, %add3A_27 : i32
    %add3A_30 = arith.constant 262144 : i32
    %add3A_31 = arith.addi %add3A_30, %add3A_27 : i32
    %add3A_32 = arith.constant 524288 : i32
    %add3A_33 = arith.addi %add3A_32, %add3A_27 : i32
    %add3A_34 = arith.constant 786432 : i32
    %add3A_35 = arith.addi %add3A_34, %add3A_27 : i32
    %add3A_36 = arith.constant 1048576 : i32
    %add3A_37 = arith.addi %add3A_36, %add3A_27 : i32
    %dma_wait3A = tpu.memref_slice %arg2[%add3A_29] : memref<1310720xi32, #tpu.memory_space<hbm>> -> memref<64xi32, #tpu.memory_space<hbm>>
    %dma_wait3A_38 = tpu.memref_slice %arg2[%add3A_29] : memref<1310720xi32, #tpu.memory_space<hbm>> -> memref<64xi32, #tpu.memory_space<hbm>>
    tpu.wait_dma2 semaphore(%arg33 : memref<!tpu.dma_semaphore, #tpu.memory_space<semaphore_mem>>) src(%dma_wait3A_38 : memref<64xi32, #tpu.memory_space<hbm>>) dst(%arg21 : memref<64xi32, #tpu.memory_space<vmem>>)
    %dma_wait3A_39 = tpu.memref_slice %arg2[%add3A_31] : memref<1310720xi32, #tpu.memory_space<hbm>> -> memref<64xi32, #tpu.memory_space<hbm>>
    %dma_wait3A_40 = tpu.memref_slice %arg2[%add3A_31] : memref<1310720xi32, #tpu.memory_space<hbm>> -> memref<64xi32, #tpu.memory_space<hbm>>
    tpu.wait_dma2 semaphore(%arg33 : memref<!tpu.dma_semaphore, #tpu.memory_space<semaphore_mem>>) src(%dma_wait3A_40 : memref<64xi32, #tpu.memory_space<hbm>>) dst(%arg22 : memref<64xi32, #tpu.memory_space<vmem>>)
    %dma_wait3A_41 = tpu.memref_slice %arg2[%add3A_33] : memref<1310720xi32, #tpu.memory_space<hbm>> -> memref<64xi32, #tpu.memory_space<hbm>>
    %dma_wait3A_42 = tpu.memref_slice %arg2[%add3A_33] : memref<1310720xi32, #tpu.memory_space<hbm>> -> memref<64xi32, #tpu.memory_space<hbm>>
    tpu.wait_dma2 semaphore(%arg33 : memref<!tpu.dma_semaphore, #tpu.memory_space<semaphore_mem>>) src(%dma_wait3A_42 : memref<64xi32, #tpu.memory_space<hbm>>) dst(%arg23 : memref<64xi32, #tpu.memory_space<vmem>>)
    %dma_wait3A_43 = tpu.memref_slice %arg2[%add3A_35] : memref<1310720xi32, #tpu.memory_space<hbm>> -> memref<64xi32, #tpu.memory_space<hbm>>
    %dma_wait3A_44 = tpu.memref_slice %arg2[%add3A_35] : memref<1310720xi32, #tpu.memory_space<hbm>> -> memref<64xi32, #tpu.memory_space<hbm>>
    tpu.wait_dma2 semaphore(%arg33 : memref<!tpu.dma_semaphore, #tpu.memory_space<semaphore_mem>>) src(%dma_wait3A_44 : memref<64xi32, #tpu.memory_space<hbm>>) dst(%arg24 : memref<64xi32, #tpu.memory_space<vmem>>)
    %dma_wait3A_45 = tpu.memref_slice %arg2[%add3A_37] : memref<1310720xi32, #tpu.memory_space<hbm>> -> memref<64xi32, #tpu.memory_space<hbm>>
    %dma_wait3A_46 = tpu.memref_slice %arg2[%add3A_37] : memref<1310720xi32, #tpu.memory_space<hbm>> -> memref<64xi32, #tpu.memory_space<hbm>>
    tpu.wait_dma2 semaphore(%arg33 : memref<!tpu.dma_semaphore, #tpu.memory_space<semaphore_mem>>) src(%dma_wait3A_46 : memref<64xi32, #tpu.memory_space<hbm>>) dst(%arg25 : memref<64xi32, #tpu.memory_space<vmem>>)
    %dma_wait3A_47 = tpu.memref_slice %arg3[%add3A_27] : memref<262144xi32, #tpu.memory_space<hbm>> -> memref<64xi32, #tpu.memory_space<hbm>>
    %dma_wait3A_48 = tpu.memref_slice %arg3[%add3A_27] : memref<262144xi32, #tpu.memory_space<hbm>> -> memref<64xi32, #tpu.memory_space<hbm>>
    tpu.wait_dma2 semaphore(%arg33 : memref<!tpu.dma_semaphore, #tpu.memory_space<semaphore_mem>>) src(%dma_wait3A_48 : memref<64xi32, #tpu.memory_space<hbm>>) dst(%arg31 : memref<64xi32, #tpu.memory_space<vmem>>)
    %dma_start3A_49 = arith.constant 0 : i32
    %dma_start3A_50 = arith.constant 0 : i32
    %dma_start3A_51 = tpu.memref_slice %arg4[%dma_start3A_49, %dma_start3A_50] : memref<41600x128xf32, #tpu.memory_space<hbm>> -> memref<41600x128xf32, #tpu.memory_space<hbm>>
    tpu.enqueue_indirect_dma source(%dma_start3A_51 : memref<41600x128xf32, #tpu.memory_space<hbm>>) target(%arg7 : memref<64x128xf32, #tpu.memory_space<vmem>>) offsets(%arg21 : memref<64xi32, #tpu.memory_space<vmem>>) semaphore(%arg35 : memref<!tpu.dma_semaphore, #tpu.memory_space<semaphore_mem>>)
    %dma_start3A_52 = arith.constant 0 : i32
    %dma_start3A_53 = arith.constant 0 : i32
    %dma_start3A_54 = tpu.memref_slice %arg4[%dma_start3A_52, %dma_start3A_53] : memref<41600x128xf32, #tpu.memory_space<hbm>> -> memref<41600x128xf32, #tpu.memory_space<hbm>>
    tpu.enqueue_indirect_dma source(%dma_start3A_54 : memref<41600x128xf32, #tpu.memory_space<hbm>>) target(%arg8 : memref<64x128xf32, #tpu.memory_space<vmem>>) offsets(%arg22 : memref<64xi32, #tpu.memory_space<vmem>>) semaphore(%arg35 : memref<!tpu.dma_semaphore, #tpu.memory_space<semaphore_mem>>)
    %dma_start3A_55 = arith.constant 0 : i32
    %dma_start3A_56 = arith.constant 0 : i32
    %dma_start3A_57 = tpu.memref_slice %arg4[%dma_start3A_55, %dma_start3A_56] : memref<41600x128xf32, #tpu.memory_space<hbm>> -> memref<41600x128xf32, #tpu.memory_space<hbm>>
    tpu.enqueue_indirect_dma source(%dma_start3A_57 : memref<41600x128xf32, #tpu.memory_space<hbm>>) target(%arg9 : memref<64x128xf32, #tpu.memory_space<vmem>>) offsets(%arg23 : memref<64xi32, #tpu.memory_space<vmem>>) semaphore(%arg35 : memref<!tpu.dma_semaphore, #tpu.memory_space<semaphore_mem>>)
    %dma_start3A_58 = arith.constant 0 : i32
    %dma_start3A_59 = arith.constant 0 : i32
    %dma_start3A_60 = tpu.memref_slice %arg4[%dma_start3A_58, %dma_start3A_59] : memref<41600x128xf32, #tpu.memory_space<hbm>> -> memref<41600x128xf32, #tpu.memory_space<hbm>>
    tpu.enqueue_indirect_dma source(%dma_start3A_60 : memref<41600x128xf32, #tpu.memory_space<hbm>>) target(%arg10 : memref<64x128xf32, #tpu.memory_space<vmem>>) offsets(%arg24 : memref<64xi32, #tpu.memory_space<vmem>>) semaphore(%arg35 : memref<!tpu.dma_semaphore, #tpu.memory_space<semaphore_mem>>)
    %dma_start3A_61 = arith.constant 0 : i32
    %dma_start3A_62 = arith.constant 0 : i32
    %dma_start3A_63 = tpu.memref_slice %arg4[%dma_start3A_61, %dma_start3A_62] : memref<41600x128xf32, #tpu.memory_space<hbm>> -> memref<41600x128xf32, #tpu.memory_space<hbm>>
    tpu.enqueue_indirect_dma source(%dma_start3A_63 : memref<41600x128xf32, #tpu.memory_space<hbm>>) target(%arg11 : memref<64x128xf32, #tpu.memory_space<vmem>>) offsets(%arg25 : memref<64xi32, #tpu.memory_space<vmem>>) semaphore(%arg35 : memref<!tpu.dma_semaphore, #tpu.memory_space<semaphore_mem>>)
    %dma_start3A_64 = arith.constant 0 : i32
    %dma_start3A_65 = arith.constant 0 : i32
    %dma_start3A_66 = tpu.memref_slice %arg5[%dma_start3A_64, %dma_start3A_65] : memref<512x128xf32, #tpu.memory_space<hbm>> -> memref<512x128xf32, #tpu.memory_space<hbm>>
    tpu.enqueue_indirect_dma source(%dma_start3A_66 : memref<512x128xf32, #tpu.memory_space<hbm>>) target(%arg17 : memref<64x128xf32, #tpu.memory_space<vmem>>) offsets(%arg31 : memref<64xi32, #tpu.memory_space<vmem>>) semaphore(%arg35 : memref<!tpu.dma_semaphore, #tpu.memory_space<semaphore_mem>>)
    %add3A_67 = arith.constant 64 : i32
    %add3A_68 = arith.addi %mul3A_2, %add3A_67 : i32
    %add3A_69 = arith.constant 0 : i32
    %add3A_70 = arith.addi %add3A_69, %add3A_68 : i32
    %add3A_71 = arith.constant 262144 : i32
    %add3A_72 = arith.addi %add3A_71, %add3A_68 : i32
    %add3A_73 = arith.constant 524288 : i32
    %add3A_74 = arith.addi %add3A_73, %add3A_68 : i32
    %add3A_75 = arith.constant 786432 : i32
    %add3A_76 = arith.addi %add3A_75, %add3A_68 : i32
    %add3A_77 = arith.constant 1048576 : i32
    %add3A_78 = arith.addi %add3A_77, %add3A_68 : i32
    %dma_start3A_79 = tpu.memref_slice %arg2[%add3A_70] : memref<1310720xi32, #tpu.memory_space<hbm>> -> memref<64xi32, #tpu.memory_space<hbm>>
    %dma_start3A_80 = tpu.memref_slice %arg2[%add3A_70] : memref<1310720xi32, #tpu.memory_space<hbm>> -> memref<64xi32, #tpu.memory_space<hbm>>
    tpu.enqueue_dma source(%dma_start3A_80 : memref<64xi32, #tpu.memory_space<hbm>>) target(%arg26 : memref<64xi32, #tpu.memory_space<vmem>>) target_semaphore(%arg34 : memref<!tpu.dma_semaphore, #tpu.memory_space<semaphore_mem>>)
    %dma_start3A_81 = tpu.memref_slice %arg2[%add3A_72] : memref<1310720xi32, #tpu.memory_space<hbm>> -> memref<64xi32, #tpu.memory_space<hbm>>
    %dma_start3A_82 = tpu.memref_slice %arg2[%add3A_72] : memref<1310720xi32, #tpu.memory_space<hbm>> -> memref<64xi32, #tpu.memory_space<hbm>>
    tpu.enqueue_dma source(%dma_start3A_82 : memref<64xi32, #tpu.memory_space<hbm>>) target(%arg27 : memref<64xi32, #tpu.memory_space<vmem>>) target_semaphore(%arg34 : memref<!tpu.dma_semaphore, #tpu.memory_space<semaphore_mem>>)
    %dma_start3A_83 = tpu.memref_slice %arg2[%add3A_74] : memref<1310720xi32, #tpu.memory_space<hbm>> -> memref<64xi32, #tpu.memory_space<hbm>>
    %dma_start3A_84 = tpu.memref_slice %arg2[%add3A_74] : memref<1310720xi32, #tpu.memory_space<hbm>> -> memref<64xi32, #tpu.memory_space<hbm>>
    tpu.enqueue_dma source(%dma_start3A_84 : memref<64xi32, #tpu.memory_space<hbm>>) target(%arg28 : memref<64xi32, #tpu.memory_space<vmem>>) target_semaphore(%arg34 : memref<!tpu.dma_semaphore, #tpu.memory_space<semaphore_mem>>)
    %dma_start3A_85 = tpu.memref_slice %arg2[%add3A_76] : memref<1310720xi32, #tpu.memory_space<hbm>> -> memref<64xi32, #tpu.memory_space<hbm>>
    %dma_start3A_86 = tpu.memref_slice %arg2[%add3A_76] : memref<1310720xi32, #tpu.memory_space<hbm>> -> memref<64xi32, #tpu.memory_space<hbm>>
    tpu.enqueue_dma source(%dma_start3A_86 : memref<64xi32, #tpu.memory_space<hbm>>) target(%arg29 : memref<64xi32, #tpu.memory_space<vmem>>) target_semaphore(%arg34 : memref<!tpu.dma_semaphore, #tpu.memory_space<semaphore_mem>>)
    %dma_start3A_87 = tpu.memref_slice %arg2[%add3A_78] : memref<1310720xi32, #tpu.memory_space<hbm>> -> memref<64xi32, #tpu.memory_space<hbm>>
    %dma_start3A_88 = tpu.memref_slice %arg2[%add3A_78] : memref<1310720xi32, #tpu.memory_space<hbm>> -> memref<64xi32, #tpu.memory_space<hbm>>
    tpu.enqueue_dma source(%dma_start3A_88 : memref<64xi32, #tpu.memory_space<hbm>>) target(%arg30 : memref<64xi32, #tpu.memory_space<vmem>>) target_semaphore(%arg34 : memref<!tpu.dma_semaphore, #tpu.memory_space<semaphore_mem>>)
    %dma_start3A_89 = tpu.memref_slice %arg3[%add3A_68] : memref<262144xi32, #tpu.memory_space<hbm>> -> memref<64xi32, #tpu.memory_space<hbm>>
    %dma_start3A_90 = tpu.memref_slice %arg3[%add3A_68] : memref<262144xi32, #tpu.memory_space<hbm>> -> memref<64xi32, #tpu.memory_space<hbm>>
    tpu.enqueue_dma source(%dma_start3A_90 : memref<64xi32, #tpu.memory_space<hbm>>) target(%arg32 : memref<64xi32, #tpu.memory_space<vmem>>) target_semaphore(%arg34 : memref<!tpu.dma_semaphore, #tpu.memory_space<semaphore_mem>>)
    %scan3A = arith.constant 0 : i32
    %scan3A_91 = arith.constant 0 : i32
    %scan3A_92 = arith.constant 64 : i32
    %scan3A_93 = arith.addi %scan3A_91, %scan3A_92 : i32
    %scan3A_94 = arith.constant 1 : i32
    %scan3A_95 = scf.for %scan3A_109 = %scan3A_91 to %scan3A_93 step %scan3A_94 iter_args(%scan3A_110 = %scan3A) -> (i32)  : i32 {
      %mul3A_111 = arith.constant 2 : i32
      %mul3A_112 = arith.muli %mul3A_111, %scan3A_109 : i32
      %add3A_113 = arith.constant 0 : i32
      %add3A_114 = arith.addi %mul3A_112, %add3A_113 : i32
      %add3A_115 = arith.constant 1 : i32
      %add3A_116 = arith.addi %add3A_114, %add3A_115 : i32
      %lt3A = arith.constant 128 : i32
      %lt3A_117 = arith.cmpi slt, %add3A_116, %lt3A : i32
      %convert_element_type3A = arith.extui %lt3A_117 : i1 to i32
      %cond3A = arith.constant 0 : i32
      %cond3A_118 = arith.cmpi ne, %convert_element_type3A, %cond3A : i32
      scf.if %cond3A_118 {
        %add3A_218 = arith.constant 1 : i32
        %add3A_219 = arith.addi %add3A_114, %add3A_218 : i32
        %mul3A_220 = arith.constant 64 : i32
        %mul3A_221 = arith.muli %add3A_219, %mul3A_220 : i32
        %add3A_222 = arith.addi %mul3A_2, %mul3A_221 : i32
        %add3A_223 = arith.constant 0 : i32
        %add3A_224 = arith.addi %add3A_223, %add3A_222 : i32
        %add3A_225 = arith.constant 262144 : i32
        %add3A_226 = arith.addi %add3A_225, %add3A_222 : i32
        %add3A_227 = arith.constant 524288 : i32
        %add3A_228 = arith.addi %add3A_227, %add3A_222 : i32
        %add3A_229 = arith.constant 786432 : i32
        %add3A_230 = arith.addi %add3A_229, %add3A_222 : i32
        %add3A_231 = arith.constant 1048576 : i32
        %add3A_232 = arith.addi %add3A_231, %add3A_222 : i32
        %dma_wait3A_233 = tpu.memref_slice %arg2[%add3A_224] : memref<1310720xi32, #tpu.memory_space<hbm>> -> memref<64xi32, #tpu.memory_space<hbm>>
        %dma_wait3A_234 = tpu.memref_slice %arg2[%add3A_224] : memref<1310720xi32, #tpu.memory_space<hbm>> -> memref<64xi32, #tpu.memory_space<hbm>>
        tpu.wait_dma2 semaphore(%arg34 : memref<!tpu.dma_semaphore, #tpu.memory_space<semaphore_mem>>) src(%dma_wait3A_234 : memref<64xi32, #tpu.memory_space<hbm>>) dst(%arg26 : memref<64xi32, #tpu.memory_space<vmem>>)
        %dma_wait3A_235 = tpu.memref_slice %arg2[%add3A_226] : memref<1310720xi32, #tpu.memory_space<hbm>> -> memref<64xi32, #tpu.memory_space<hbm>>
        %dma_wait3A_236 = tpu.memref_slice %arg2[%add3A_226] : memref<1310720xi32, #tpu.memory_space<hbm>> -> memref<64xi32, #tpu.memory_space<hbm>>
        tpu.wait_dma2 semaphore(%arg34 : memref<!tpu.dma_semaphore, #tpu.memory_space<semaphore_mem>>) src(%dma_wait3A_236 : memref<64xi32, #tpu.memory_space<hbm>>) dst(%arg27 : memref<64xi32, #tpu.memory_space<vmem>>)
        %dma_wait3A_237 = tpu.memref_slice %arg2[%add3A_228] : memref<1310720xi32, #tpu.memory_space<hbm>> -> memref<64xi32, #tpu.memory_space<hbm>>
        %dma_wait3A_238 = tpu.memref_slice %arg2[%add3A_228] : memref<1310720xi32, #tpu.memory_space<hbm>> -> memref<64xi32, #tpu.memory_space<hbm>>
        tpu.wait_dma2 semaphore(%arg34 : memref<!tpu.dma_semaphore, #tpu.memory_space<semaphore_mem>>) src(%dma_wait3A_238 : memref<64xi32, #tpu.memory_space<hbm>>) dst(%arg28 : memref<64xi32, #tpu.memory_space<vmem>>)
        %dma_wait3A_239 = tpu.memref_slice %arg2[%add3A_230] : memref<1310720xi32, #tpu.memory_space<hbm>> -> memref<64xi32, #tpu.memory_space<hbm>>
        %dma_wait3A_240 = tpu.memref_slice %arg2[%add3A_230] : memref<1310720xi32, #tpu.memory_space<hbm>> -> memref<64xi32, #tpu.memory_space<hbm>>
        tpu.wait_dma2 semaphore(%arg34 : memref<!tpu.dma_semaphore, #tpu.memory_space<semaphore_mem>>) src(%dma_wait3A_240 : memref<64xi32, #tpu.memory_space<hbm>>) dst(%arg29 : memref<64xi32, #tpu.memory_space<vmem>>)
        %dma_wait3A_241 = tpu.memref_slice %arg2[%add3A_232] : memref<1310720xi32, #tpu.memory_space<hbm>> -> memref<64xi32, #tpu.memory_space<hbm>>
        %dma_wait3A_242 = tpu.memref_slice %arg2[%add3A_232] : memref<1310720xi32, #tpu.memory_space<hbm>> -> memref<64xi32, #tpu.memory_space<hbm>>
        tpu.wait_dma2 semaphore(%arg34 : memref<!tpu.dma_semaphore, #tpu.memory_space<semaphore_mem>>) src(%dma_wait3A_242 : memref<64xi32, #tpu.memory_space<hbm>>) dst(%arg30 : memref<64xi32, #tpu.memory_space<vmem>>)
        %dma_wait3A_243 = tpu.memref_slice %arg3[%add3A_222] : memref<262144xi32, #tpu.memory_space<hbm>> -> memref<64xi32, #tpu.memory_space<hbm>>
        %dma_wait3A_244 = tpu.memref_slice %arg3[%add3A_222] : memref<262144xi32, #tpu.memory_space<hbm>> -> memref<64xi32, #tpu.memory_space<hbm>>
        tpu.wait_dma2 semaphore(%arg34 : memref<!tpu.dma_semaphore, #tpu.memory_space<semaphore_mem>>) src(%dma_wait3A_244 : memref<64xi32, #tpu.memory_space<hbm>>) dst(%arg32 : memref<64xi32, #tpu.memory_space<vmem>>)
        %dma_start3A_245 = arith.constant 0 : i32
        %dma_start3A_246 = arith.constant 0 : i32
        %dma_start3A_247 = tpu.memref_slice %arg4[%dma_start3A_245, %dma_start3A_246] : memref<41600x128xf32, #tpu.memory_space<hbm>> -> memref<41600x128xf32, #tpu.memory_space<hbm>>
        tpu.enqueue_indirect_dma source(%dma_start3A_247 : memref<41600x128xf32, #tpu.memory_space<hbm>>) target(%arg12 : memref<64x128xf32, #tpu.memory_space<vmem>>) offsets(%arg26 : memref<64xi32, #tpu.memory_space<vmem>>) semaphore(%arg36 : memref<!tpu.dma_semaphore, #tpu.memory_space<semaphore_mem>>)
        %dma_start3A_248 = arith.constant 0 : i32
        %dma_start3A_249 = arith.constant 0 : i32
        %dma_start3A_250 = tpu.memref_slice %arg4[%dma_start3A_248, %dma_start3A_249] : memref<41600x128xf32, #tpu.memory_space<hbm>> -> memref<41600x128xf32, #tpu.memory_space<hbm>>
        tpu.enqueue_indirect_dma source(%dma_start3A_250 : memref<41600x128xf32, #tpu.memory_space<hbm>>) target(%arg13 : memref<64x128xf32, #tpu.memory_space<vmem>>) offsets(%arg27 : memref<64xi32, #tpu.memory_space<vmem>>) semaphore(%arg36 : memref<!tpu.dma_semaphore, #tpu.memory_space<semaphore_mem>>)
        %dma_start3A_251 = arith.constant 0 : i32
        %dma_start3A_252 = arith.constant 0 : i32
        %dma_start3A_253 = tpu.memref_slice %arg4[%dma_start3A_251, %dma_start3A_252] : memref<41600x128xf32, #tpu.memory_space<hbm>> -> memref<41600x128xf32, #tpu.memory_space<hbm>>
        tpu.enqueue_indirect_dma source(%dma_start3A_253 : memref<41600x128xf32, #tpu.memory_space<hbm>>) target(%arg14 : memref<64x128xf32, #tpu.memory_space<vmem>>) offsets(%arg28 : memref<64xi32, #tpu.memory_space<vmem>>) semaphore(%arg36 : memref<!tpu.dma_semaphore, #tpu.memory_space<semaphore_mem>>)
        %dma_start3A_254 = arith.constant 0 : i32
        %dma_start3A_255 = arith.constant 0 : i32
        %dma_start3A_256 = tpu.memref_slice %arg4[%dma_start3A_254, %dma_start3A_255] : memref<41600x128xf32, #tpu.memory_space<hbm>> -> memref<41600x128xf32, #tpu.memory_space<hbm>>
        tpu.enqueue_indirect_dma source(%dma_start3A_256 : memref<41600x128xf32, #tpu.memory_space<hbm>>) target(%arg15 : memref<64x128xf32, #tpu.memory_space<vmem>>) offsets(%arg29 : memref<64xi32, #tpu.memory_space<vmem>>) semaphore(%arg36 : memref<!tpu.dma_semaphore, #tpu.memory_space<semaphore_mem>>)
        %dma_start3A_257 = arith.constant 0 : i32
        %dma_start3A_258 = arith.constant 0 : i32
        %dma_start3A_259 = tpu.memref_slice %arg4[%dma_start3A_257, %dma_start3A_258] : memref<41600x128xf32, #tpu.memory_space<hbm>> -> memref<41600x128xf32, #tpu.memory_space<hbm>>
        tpu.enqueue_indirect_dma source(%dma_start3A_259 : memref<41600x128xf32, #tpu.memory_space<hbm>>) target(%arg16 : memref<64x128xf32, #tpu.memory_space<vmem>>) offsets(%arg30 : memref<64xi32, #tpu.memory_space<vmem>>) semaphore(%arg36 : memref<!tpu.dma_semaphore, #tpu.memory_space<semaphore_mem>>)
        %dma_start3A_260 = arith.constant 0 : i32
        %dma_start3A_261 = arith.constant 0 : i32
        %dma_start3A_262 = tpu.memref_slice %arg5[%dma_start3A_260, %dma_start3A_261] : memref<512x128xf32, #tpu.memory_space<hbm>> -> memref<512x128xf32, #tpu.memory_space<hbm>>
        tpu.enqueue_indirect_dma source(%dma_start3A_262 : memref<512x128xf32, #tpu.memory_space<hbm>>) target(%arg18 : memref<64x128xf32, #tpu.memory_space<vmem>>) offsets(%arg32 : memref<64xi32, #tpu.memory_space<vmem>>) semaphore(%arg36 : memref<!tpu.dma_semaphore, #tpu.memory_space<semaphore_mem>>)
      } else {
      }
      %dma_wait3A_119 = arith.constant 0 : i32
      %dma_wait3A_120 = arith.constant 0 : i32
      %dma_wait3A_121 = tpu.memref_slice %arg4[%dma_wait3A_119, %dma_wait3A_120] : memref<41600x128xf32, #tpu.memory_space<hbm>> -> memref<41600x128xf32, #tpu.memory_space<hbm>>
      tpu.wait_indirect_dma semaphore(%arg35 : memref<!tpu.dma_semaphore, #tpu.memory_space<semaphore_mem>>) src(%dma_wait3A_121 : memref<41600x128xf32, #tpu.memory_space<hbm>>) dst(%arg7 : memref<64x128xf32, #tpu.memory_space<vmem>>)
      %dma_wait3A_122 = arith.constant 0 : i32
      %dma_wait3A_123 = arith.constant 0 : i32
      %dma_wait3A_124 = tpu.memref_slice %arg4[%dma_wait3A_122, %dma_wait3A_123] : memref<41600x128xf32, #tpu.memory_space<hbm>> -> memref<41600x128xf32, #tpu.memory_space<hbm>>
      tpu.wait_indirect_dma semaphore(%arg35 : memref<!tpu.dma_semaphore, #tpu.memory_space<semaphore_mem>>) src(%dma_wait3A_124 : memref<41600x128xf32, #tpu.memory_space<hbm>>) dst(%arg8 : memref<64x128xf32, #tpu.memory_space<vmem>>)
      %dma_wait3A_125 = arith.constant 0 : i32
      %dma_wait3A_126 = arith.constant 0 : i32
      %dma_wait3A_127 = tpu.memref_slice %arg4[%dma_wait3A_125, %dma_wait3A_126] : memref<41600x128xf32, #tpu.memory_space<hbm>> -> memref<41600x128xf32, #tpu.memory_space<hbm>>
      tpu.wait_indirect_dma semaphore(%arg35 : memref<!tpu.dma_semaphore, #tpu.memory_space<semaphore_mem>>) src(%dma_wait3A_127 : memref<41600x128xf32, #tpu.memory_space<hbm>>) dst(%arg9 : memref<64x128xf32, #tpu.memory_space<vmem>>)
      %dma_wait3A_128 = arith.constant 0 : i32
      %dma_wait3A_129 = arith.constant 0 : i32
      %dma_wait3A_130 = tpu.memref_slice %arg4[%dma_wait3A_128, %dma_wait3A_129] : memref<41600x128xf32, #tpu.memory_space<hbm>> -> memref<41600x128xf32, #tpu.memory_space<hbm>>
      tpu.wait_indirect_dma semaphore(%arg35 : memref<!tpu.dma_semaphore, #tpu.memory_space<semaphore_mem>>) src(%dma_wait3A_130 : memref<41600x128xf32, #tpu.memory_space<hbm>>) dst(%arg10 : memref<64x128xf32, #tpu.memory_space<vmem>>)
      %dma_wait3A_131 = arith.constant 0 : i32
      %dma_wait3A_132 = arith.constant 0 : i32
      %dma_wait3A_133 = tpu.memref_slice %arg4[%dma_wait3A_131, %dma_wait3A_132] : memref<41600x128xf32, #tpu.memory_space<hbm>> -> memref<41600x128xf32, #tpu.memory_space<hbm>>
      tpu.wait_indirect_dma semaphore(%arg35 : memref<!tpu.dma_semaphore, #tpu.memory_space<semaphore_mem>>) src(%dma_wait3A_133 : memref<41600x128xf32, #tpu.memory_space<hbm>>) dst(%arg11 : memref<64x128xf32, #tpu.memory_space<vmem>>)
      %dma_wait3A_134 = arith.constant 0 : i32
      %dma_wait3A_135 = arith.constant 0 : i32
      %dma_wait3A_136 = tpu.memref_slice %arg5[%dma_wait3A_134, %dma_wait3A_135] : memref<512x128xf32, #tpu.memory_space<hbm>> -> memref<512x128xf32, #tpu.memory_space<hbm>>
      tpu.wait_indirect_dma semaphore(%arg35 : memref<!tpu.dma_semaphore, #tpu.memory_space<semaphore_mem>>) src(%dma_wait3A_136 : memref<512x128xf32, #tpu.memory_space<hbm>>) dst(%arg17 : memref<64x128xf32, #tpu.memory_space<vmem>>)
      %add3A_137 = arith.constant 2 : i32
      %add3A_138 = arith.addi %add3A_114, %add3A_137 : i32
      %lt3A_139 = arith.constant 128 : i32
      %lt3A_140 = arith.cmpi slt, %add3A_138, %lt3A_139 : i32
      %convert_element_type3A_141 = arith.extui %lt3A_140 : i1 to i32
      %cond3A_142 = arith.constant 0 : i32
      %cond3A_143 = arith.cmpi ne, %convert_element_type3A_141, %cond3A_142 : i32
      scf.if %cond3A_143 {
        %add3A_218 = arith.constant 2 : i32
        %add3A_219 = arith.addi %add3A_114, %add3A_218 : i32
        %mul3A_220 = arith.constant 64 : i32
        %mul3A_221 = arith.muli %add3A_219, %mul3A_220 : i32
        %add3A_222 = arith.addi %mul3A_2, %mul3A_221 : i32
        %add3A_223 = arith.constant 0 : i32
        %add3A_224 = arith.addi %add3A_223, %add3A_222 : i32
        %add3A_225 = arith.constant 262144 : i32
        %add3A_226 = arith.addi %add3A_225, %add3A_222 : i32
        %add3A_227 = arith.constant 524288 : i32
        %add3A_228 = arith.addi %add3A_227, %add3A_222 : i32
        %add3A_229 = arith.constant 786432 : i32
        %add3A_230 = arith.addi %add3A_229, %add3A_222 : i32
        %add3A_231 = arith.constant 1048576 : i32
        %add3A_232 = arith.addi %add3A_231, %add3A_222 : i32
        %dma_start3A_233 = tpu.memref_slice %arg2[%add3A_224] : memref<1310720xi32, #tpu.memory_space<hbm>> -> memref<64xi32, #tpu.memory_space<hbm>>
        %dma_start3A_234 = tpu.memref_slice %arg2[%add3A_224] : memref<1310720xi32, #tpu.memory_space<hbm>> -> memref<64xi32, #tpu.memory_space<hbm>>
        tpu.enqueue_dma source(%dma_start3A_234 : memref<64xi32, #tpu.memory_space<hbm>>) target(%arg21 : memref<64xi32, #tpu.memory_space<vmem>>) target_semaphore(%arg33 : memref<!tpu.dma_semaphore, #tpu.memory_space<semaphore_mem>>)
        %dma_start3A_235 = tpu.memref_slice %arg2[%add3A_226] : memref<1310720xi32, #tpu.memory_space<hbm>> -> memref<64xi32, #tpu.memory_space<hbm>>
        %dma_start3A_236 = tpu.memref_slice %arg2[%add3A_226] : memref<1310720xi32, #tpu.memory_space<hbm>> -> memref<64xi32, #tpu.memory_space<hbm>>
        tpu.enqueue_dma source(%dma_start3A_236 : memref<64xi32, #tpu.memory_space<hbm>>) target(%arg22 : memref<64xi32, #tpu.memory_space<vmem>>) target_semaphore(%arg33 : memref<!tpu.dma_semaphore, #tpu.memory_space<semaphore_mem>>)
        %dma_start3A_237 = tpu.memref_slice %arg2[%add3A_228] : memref<1310720xi32, #tpu.memory_space<hbm>> -> memref<64xi32, #tpu.memory_space<hbm>>
        %dma_start3A_238 = tpu.memref_slice %arg2[%add3A_228] : memref<1310720xi32, #tpu.memory_space<hbm>> -> memref<64xi32, #tpu.memory_space<hbm>>
        tpu.enqueue_dma source(%dma_start3A_238 : memref<64xi32, #tpu.memory_space<hbm>>) target(%arg23 : memref<64xi32, #tpu.memory_space<vmem>>) target_semaphore(%arg33 : memref<!tpu.dma_semaphore, #tpu.memory_space<semaphore_mem>>)
        %dma_start3A_239 = tpu.memref_slice %arg2[%add3A_230] : memref<1310720xi32, #tpu.memory_space<hbm>> -> memref<64xi32, #tpu.memory_space<hbm>>
        %dma_start3A_240 = tpu.memref_slice %arg2[%add3A_230] : memref<1310720xi32, #tpu.memory_space<hbm>> -> memref<64xi32, #tpu.memory_space<hbm>>
        tpu.enqueue_dma source(%dma_start3A_240 : memref<64xi32, #tpu.memory_space<hbm>>) target(%arg24 : memref<64xi32, #tpu.memory_space<vmem>>) target_semaphore(%arg33 : memref<!tpu.dma_semaphore, #tpu.memory_space<semaphore_mem>>)
        %dma_start3A_241 = tpu.memref_slice %arg2[%add3A_232] : memref<1310720xi32, #tpu.memory_space<hbm>> -> memref<64xi32, #tpu.memory_space<hbm>>
        %dma_start3A_242 = tpu.memref_slice %arg2[%add3A_232] : memref<1310720xi32, #tpu.memory_space<hbm>> -> memref<64xi32, #tpu.memory_space<hbm>>
        tpu.enqueue_dma source(%dma_start3A_242 : memref<64xi32, #tpu.memory_space<hbm>>) target(%arg25 : memref<64xi32, #tpu.memory_space<vmem>>) target_semaphore(%arg33 : memref<!tpu.dma_semaphore, #tpu.memory_space<semaphore_mem>>)
        %dma_start3A_243 = tpu.memref_slice %arg3[%add3A_222] : memref<262144xi32, #tpu.memory_space<hbm>> -> memref<64xi32, #tpu.memory_space<hbm>>
        %dma_start3A_244 = tpu.memref_slice %arg3[%add3A_222] : memref<262144xi32, #tpu.memory_space<hbm>> -> memref<64xi32, #tpu.memory_space<hbm>>
        tpu.enqueue_dma source(%dma_start3A_244 : memref<64xi32, #tpu.memory_space<hbm>>) target(%arg31 : memref<64xi32, #tpu.memory_space<vmem>>) target_semaphore(%arg33 : memref<!tpu.dma_semaphore, #tpu.memory_space<semaphore_mem>>)
      } else {
      }
      %ge3A = arith.constant 2 : i32
      %ge3A_144 = arith.cmpi sge, %add3A_114, %ge3A : i32
      %convert_element_type3A_145 = arith.extui %ge3A_144 : i1 to i32
      %cond3A_146 = arith.constant 0 : i32
      %cond3A_147 = arith.cmpi ne, %convert_element_type3A_145, %cond3A_146 : i32
      scf.if %cond3A_147 {
        %sub3A = arith.constant 2 : i32
        %sub3A_218 = arith.subi %add3A_114, %sub3A : i32
        %mul3A_219 = arith.constant 64 : i32
        %mul3A_220 = arith.muli %sub3A_218, %mul3A_219 : i32
        %add3A_221 = arith.addi %mul3A_2, %mul3A_220 : i32
        %dma_wait3A_222 = arith.constant 0 : i32
        %dma_wait3A_223 = tpu.memref_slice %arg6[%add3A_221, %dma_wait3A_222] : memref<262144x32xf32, #tpu.memory_space<hbm>> -> memref<64x32xf32, #tpu.memory_space<hbm>>
        %dma_wait3A_224 = arith.constant 0 : i32
        %dma_wait3A_225 = tpu.memref_slice %arg6[%add3A_221, %dma_wait3A_224] : memref<262144x32xf32, #tpu.memory_space<hbm>> -> memref<64x32xf32, #tpu.memory_space<hbm>>
        tpu.wait_dma2 semaphore(%arg37 : memref<!tpu.dma_semaphore, #tpu.memory_space<semaphore_mem>>) src(%arg19 : memref<64x32xf32, #tpu.memory_space<vmem>>) dst(%dma_wait3A_225 : memref<64x32xf32, #tpu.memory_space<hbm>>)
      } else {
      }
      %scan3A_148 = arith.constant 0 : i32
      %scan3A_149 = arith.constant 0 : i32
      %scan3A_150 = arith.constant 64 : i32
      %scan3A_151 = arith.addi %scan3A_149, %scan3A_150 : i32
      %scan3A_152 = arith.constant 1 : i32
      %scan3A_153 = scf.for %scan3A_218 = %scan3A_149 to %scan3A_151 step %scan3A_152 iter_args(%scan3A_219 = %scan3A_148) -> (i32)  : i32 {
        %get3A = arith.index_cast %scan3A_218 : i32 to index
        %get3A_220 = arith.constant 32 : index
        %get3A_221 = tpu.vector_load %arg17[%get3A, %get3A_220] {strides = array<i32>} : memref<64x128xf32, #tpu.memory_space<vmem>>, vector<1x16xf32>,
        %get3A_222 = vector.shape_cast %get3A_221 : vector<1x16xf32> to vector<16xf32>
        %get3A_223 = arith.index_cast %scan3A_218 : i32 to index
        %get3A_224 = arith.constant 0 : index
        %get3A_225 = tpu.vector_load %arg7[%get3A_223, %get3A_224] {strides = array<i32>} : memref<64x128xf32, #tpu.memory_space<vmem>>, vector<1x16xf32>,
        %get3A_226 = vector.shape_cast %get3A_225 : vector<1x16xf32> to vector<16xf32>
        %get3A_227 = arith.index_cast %scan3A_218 : i32 to index
        %get3A_228 = arith.constant 0 : index
        %get3A_229 = tpu.vector_load %arg8[%get3A_227, %get3A_228] {strides = array<i32>} : memref<64x128xf32, #tpu.memory_space<vmem>>, vector<1x16xf32>,
        %get3A_230 = vector.shape_cast %get3A_229 : vector<1x16xf32> to vector<16xf32>
        %add3A_231 = arith.addf %get3A_226, %get3A_230 : vector<16xf32>
        %get3A_232 = arith.index_cast %scan3A_218 : i32 to index
        %get3A_233 = arith.constant 0 : index
        %get3A_234 = tpu.vector_load %arg9[%get3A_232, %get3A_233] {strides = array<i32>} : memref<64x128xf32, #tpu.memory_space<vmem>>, vector<1x16xf32>,
        %get3A_235 = vector.shape_cast %get3A_234 : vector<1x16xf32> to vector<16xf32>
        %get3A_236 = arith.index_cast %scan3A_218 : i32 to index
        %get3A_237 = arith.constant 0 : index
        %get3A_238 = tpu.vector_load %arg10[%get3A_236, %get3A_237] {strides = array<i32>} : memref<64x128xf32, #tpu.memory_space<vmem>>, vector<1x16xf32>,
        %get3A_239 = vector.shape_cast %get3A_238 : vector<1x16xf32> to vector<16xf32>
        %add3A_240 = arith.addf %get3A_235, %get3A_239 : vector<16xf32>
        %add3A_241 = arith.addf %add3A_231, %add3A_240 : vector<16xf32>
        %get3A_242 = arith.index_cast %scan3A_218 : i32 to index
        %get3A_243 = arith.constant 0 : index
        %get3A_244 = tpu.vector_load %arg11[%get3A_242, %get3A_243] {strides = array<i32>} : memref<64x128xf32, #tpu.memory_space<vmem>>, vector<1x16xf32>,
        %get3A_245 = vector.shape_cast %get3A_244 : vector<1x16xf32> to vector<16xf32>
        %add3A_246 = arith.addf %add3A_241, %get3A_245 : vector<16xf32>
        %get3A_247 = arith.index_cast %scan3A_218 : i32 to index
        %get3A_248 = arith.constant 16 : index
        %get3A_249 = tpu.vector_load %arg7[%get3A_247, %get3A_248] {strides = array<i32>} : memref<64x128xf32, #tpu.memory_space<vmem>>, vector<1x16xf32>,
        %get3A_250 = vector.shape_cast %get3A_249 : vector<1x16xf32> to vector<16xf32>
        %get3A_251 = arith.index_cast %scan3A_218 : i32 to index
        %get3A_252 = arith.constant 16 : index
        %get3A_253 = tpu.vector_load %arg8[%get3A_251, %get3A_252] {strides = array<i32>} : memref<64x128xf32, #tpu.memory_space<vmem>>, vector<1x16xf32>,
        %get3A_254 = vector.shape_cast %get3A_253 : vector<1x16xf32> to vector<16xf32>
        %add3A_255 = arith.addf %get3A_250, %get3A_254 : vector<16xf32>
        %get3A_256 = arith.index_cast %scan3A_218 : i32 to index
        %get3A_257 = arith.constant 16 : index
        %get3A_258 = tpu.vector_load %arg9[%get3A_256, %get3A_257] {strides = array<i32>} : memref<64x128xf32, #tpu.memory_space<vmem>>, vector<1x16xf32>,
        %get3A_259 = vector.shape_cast %get3A_258 : vector<1x16xf32> to vector<16xf32>
        %get3A_260 = arith.index_cast %scan3A_218 : i32 to index
        %get3A_261 = arith.constant 16 : index
        %get3A_262 = tpu.vector_load %arg10[%get3A_260, %get3A_261] {strides = array<i32>} : memref<64x128xf32, #tpu.memory_space<vmem>>, vector<1x16xf32>,
        %get3A_263 = vector.shape_cast %get3A_262 : vector<1x16xf32> to vector<16xf32>
        %add3A_264 = arith.addf %get3A_259, %get3A_263 : vector<16xf32>
        %add3A_265 = arith.addf %add3A_255, %add3A_264 : vector<16xf32>
        %get3A_266 = arith.index_cast %scan3A_218 : i32 to index
        %get3A_267 = arith.constant 16 : index
        %get3A_268 = tpu.vector_load %arg11[%get3A_266, %get3A_267] {strides = array<i32>} : memref<64x128xf32, #tpu.memory_space<vmem>>, vector<1x16xf32>,
        %get3A_269 = vector.shape_cast %get3A_268 : vector<1x16xf32> to vector<16xf32>
        %add3A_270 = arith.addf %add3A_265, %get3A_269 : vector<16xf32>
        %get3A_271 = arith.index_cast %scan3A_218 : i32 to index
        %get3A_272 = arith.constant 0 : index
        %get3A_273 = tpu.vector_load %arg17[%get3A_271, %get3A_272] {strides = array<i32>} : memref<64x128xf32, #tpu.memory_space<vmem>>, vector<1x16xf32>,
        %get3A_274 = vector.shape_cast %get3A_273 : vector<1x16xf32> to vector<16xf32>
        %mul3A_275 = arith.mulf %get3A_222, %add3A_246 : vector<16xf32>
        %add3A_276 = arith.addf %get3A_274, %mul3A_275 : vector<16xf32>
        %swap3A = arith.index_cast %scan3A_218 : i32 to index
        %swap3A_277 = arith.constant 0 : index
        %swap3A_278 = tpu.vector_load %arg19[%swap3A, %swap3A_277] {strides = array<i32>} : memref<64x32xf32, #tpu.memory_space<vmem>>, vector<1x16xf32>,
        %swap3A_279 = vector.shape_cast %swap3A_278 : vector<1x16xf32> to vector<16xf32>
        %swap3A_280 = vector.shape_cast %add3A_276 : vector<16xf32> to vector<1x16xf32>
        tpu.vector_store %arg19[%swap3A, %swap3A_277], %swap3A_280 {strides = array<i32>} : memref<64x32xf32, #tpu.memory_space<vmem>>, vector<1x16xf32>,
        %get3A_281 = arith.index_cast %scan3A_218 : i32 to index
        %get3A_282 = arith.constant 16 : index
        %get3A_283 = tpu.vector_load %arg17[%get3A_281, %get3A_282] {strides = array<i32>} : memref<64x128xf32, #tpu.memory_space<vmem>>, vector<1x16xf32>,
        %get3A_284 = vector.shape_cast %get3A_283 : vector<1x16xf32> to vector<16xf32>
        %mul3A_285 = arith.mulf %get3A_222, %add3A_270 : vector<16xf32>
        %add3A_286 = arith.addf %get3A_284, %mul3A_285 : vector<16xf32>
        %swap3A_287 = arith.index_cast %scan3A_218 : i32 to index
        %swap3A_288 = arith.constant 16 : index
        %swap3A_289 = tpu.vector_load %arg19[%swap3A_287, %swap3A_288] {strides = array<i32>} : memref<64x32xf32, #tpu.memory_space<vmem>>, vector<1x16xf32>,
        %swap3A_290 = vector.shape_cast %swap3A_289 : vector<1x16xf32> to vector<16xf32>
        %swap3A_291 = vector.shape_cast %add3A_286 : vector<16xf32> to vector<1x16xf32>
        tpu.vector_store %arg19[%swap3A_287, %swap3A_288], %swap3A_291 {strides = array<i32>} : memref<64x32xf32, #tpu.memory_space<vmem>>, vector<1x16xf32>,
        %scan3A_292 = arith.constant 0 : i32
        scf.yield %scan3A_292 : i32
      }
      %scan3A_154 = arith.constant 64 : i32
      %mul3A_155 = arith.constant 64 : i32
      %mul3A_156 = arith.muli %add3A_114, %mul3A_155 : i32
      %add3A_157 = arith.addi %mul3A_2, %mul3A_156 : i32
      %dma_start3A_158 = arith.constant 0 : i32
      %dma_start3A_159 = tpu.memref_slice %arg6[%add3A_157, %dma_start3A_158] : memref<262144x32xf32, #tpu.memory_space<hbm>> -> memref<64x32xf32, #tpu.memory_space<hbm>>
      %dma_start3A_160 = arith.constant 0 : i32
      %dma_start3A_161 = tpu.memref_slice %arg6[%add3A_157, %dma_start3A_160] : memref<262144x32xf32, #tpu.memory_space<hbm>> -> memref<64x32xf32, #tpu.memory_space<hbm>>
      tpu.enqueue_dma source(%arg19 : memref<64x32xf32, #tpu.memory_space<vmem>>) target(%dma_start3A_161 : memref<64x32xf32, #tpu.memory_space<hbm>>) target_semaphore(%arg37 : memref<!tpu.dma_semaphore, #tpu.memory_space<semaphore_mem>>)
      %mul3A_162 = arith.constant 2 : i32
      %mul3A_163 = arith.muli %mul3A_162, %scan3A_109 : i32
      %add3A_164 = arith.constant 1 : i32
      %add3A_165 = arith.addi %mul3A_163, %add3A_164 : i32
      %add3A_166 = arith.constant 1 : i32
      %add3A_167 = arith.addi %add3A_165, %add3A_166 : i32
      %lt3A_168 = arith.constant 128 : i32
      %lt3A_169 = arith.cmpi slt, %add3A_167, %lt3A_168 : i32
      %convert_element_type3A_170 = arith.extui %lt3A_169 : i1 to i32
      %cond3A_171 = arith.constant 0 : i32
      %cond3A_172 = arith.cmpi ne, %convert_element_type3A_170, %cond3A_171 : i32
      scf.if %cond3A_172 {
        %add3A_218 = arith.constant 1 : i32
        %add3A_219 = arith.addi %add3A_165, %add3A_218 : i32
        %mul3A_220 = arith.constant 64 : i32
        %mul3A_221 = arith.muli %add3A_219, %mul3A_220 : i32
        %add3A_222 = arith.addi %mul3A_2, %mul3A_221 : i32
        %add3A_223 = arith.constant 0 : i32
        %add3A_224 = arith.addi %add3A_223, %add3A_222 : i32
        %add3A_225 = arith.constant 262144 : i32
        %add3A_226 = arith.addi %add3A_225, %add3A_222 : i32
        %add3A_227 = arith.constant 524288 : i32
        %add3A_228 = arith.addi %add3A_227, %add3A_222 : i32
        %add3A_229 = arith.constant 786432 : i32
        %add3A_230 = arith.addi %add3A_229, %add3A_222 : i32
        %add3A_231 = arith.constant 1048576 : i32
        %add3A_232 = arith.addi %add3A_231, %add3A_222 : i32
        %dma_wait3A_233 = tpu.memref_slice %arg2[%add3A_224] : memref<1310720xi32, #tpu.memory_space<hbm>> -> memref<64xi32, #tpu.memory_space<hbm>>
        %dma_wait3A_234 = tpu.memref_slice %arg2[%add3A_224] : memref<1310720xi32, #tpu.memory_space<hbm>> -> memref<64xi32, #tpu.memory_space<hbm>>
        tpu.wait_dma2 semaphore(%arg33 : memref<!tpu.dma_semaphore, #tpu.memory_space<semaphore_mem>>) src(%dma_wait3A_234 : memref<64xi32, #tpu.memory_space<hbm>>) dst(%arg21 : memref<64xi32, #tpu.memory_space<vmem>>)
        %dma_wait3A_235 = tpu.memref_slice %arg2[%add3A_226] : memref<1310720xi32, #tpu.memory_space<hbm>> -> memref<64xi32, #tpu.memory_space<hbm>>
        %dma_wait3A_236 = tpu.memref_slice %arg2[%add3A_226] : memref<1310720xi32, #tpu.memory_space<hbm>> -> memref<64xi32, #tpu.memory_space<hbm>>
        tpu.wait_dma2 semaphore(%arg33 : memref<!tpu.dma_semaphore, #tpu.memory_space<semaphore_mem>>) src(%dma_wait3A_236 : memref<64xi32, #tpu.memory_space<hbm>>) dst(%arg22 : memref<64xi32, #tpu.memory_space<vmem>>)
        %dma_wait3A_237 = tpu.memref_slice %arg2[%add3A_228] : memref<1310720xi32, #tpu.memory_space<hbm>> -> memref<64xi32, #tpu.memory_space<hbm>>
        %dma_wait3A_238 = tpu.memref_slice %arg2[%add3A_228] : memref<1310720xi32, #tpu.memory_space<hbm>> -> memref<64xi32, #tpu.memory_space<hbm>>
        tpu.wait_dma2 semaphore(%arg33 : memref<!tpu.dma_semaphore, #tpu.memory_space<semaphore_mem>>) src(%dma_wait3A_238 : memref<64xi32, #tpu.memory_space<hbm>>) dst(%arg23 : memref<64xi32, #tpu.memory_space<vmem>>)
        %dma_wait3A_239 = tpu.memref_slice %arg2[%add3A_230] : memref<1310720xi32, #tpu.memory_space<hbm>> -> memref<64xi32, #tpu.memory_space<hbm>>
        %dma_wait3A_240 = tpu.memref_slice %arg2[%add3A_230] : memref<1310720xi32, #tpu.memory_space<hbm>> -> memref<64xi32, #tpu.memory_space<hbm>>
        tpu.wait_dma2 semaphore(%arg33 : memref<!tpu.dma_semaphore, #tpu.memory_space<semaphore_mem>>) src(%dma_wait3A_240 : memref<64xi32, #tpu.memory_space<hbm>>) dst(%arg24 : memref<64xi32, #tpu.memory_space<vmem>>)
        %dma_wait3A_241 = tpu.memref_slice %arg2[%add3A_232] : memref<1310720xi32, #tpu.memory_space<hbm>> -> memref<64xi32, #tpu.memory_space<hbm>>
        %dma_wait3A_242 = tpu.memref_slice %arg2[%add3A_232] : memref<1310720xi32, #tpu.memory_space<hbm>> -> memref<64xi32, #tpu.memory_space<hbm>>
        tpu.wait_dma2 semaphore(%arg33 : memref<!tpu.dma_semaphore, #tpu.memory_space<semaphore_mem>>) src(%dma_wait3A_242 : memref<64xi32, #tpu.memory_space<hbm>>) dst(%arg25 : memref<64xi32, #tpu.memory_space<vmem>>)
        %dma_wait3A_243 = tpu.memref_slice %arg3[%add3A_222] : memref<262144xi32, #tpu.memory_space<hbm>> -> memref<64xi32, #tpu.memory_space<hbm>>
        %dma_wait3A_244 = tpu.memref_slice %arg3[%add3A_222] : memref<262144xi32, #tpu.memory_space<hbm>> -> memref<64xi32, #tpu.memory_space<hbm>>
        tpu.wait_dma2 semaphore(%arg33 : memref<!tpu.dma_semaphore, #tpu.memory_space<semaphore_mem>>) src(%dma_wait3A_244 : memref<64xi32, #tpu.memory_space<hbm>>) dst(%arg31 : memref<64xi32, #tpu.memory_space<vmem>>)
        %dma_start3A_245 = arith.constant 0 : i32
        %dma_start3A_246 = arith.constant 0 : i32
        %dma_start3A_247 = tpu.memref_slice %arg4[%dma_start3A_245, %dma_start3A_246] : memref<41600x128xf32, #tpu.memory_space<hbm>> -> memref<41600x128xf32, #tpu.memory_space<hbm>>
        tpu.enqueue_indirect_dma source(%dma_start3A_247 : memref<41600x128xf32, #tpu.memory_space<hbm>>) target(%arg7 : memref<64x128xf32, #tpu.memory_space<vmem>>) offsets(%arg21 : memref<64xi32, #tpu.memory_space<vmem>>) semaphore(%arg35 : memref<!tpu.dma_semaphore, #tpu.memory_space<semaphore_mem>>)
        %dma_start3A_248 = arith.constant 0 : i32
        %dma_start3A_249 = arith.constant 0 : i32
        %dma_start3A_250 = tpu.memref_slice %arg4[%dma_start3A_248, %dma_start3A_249] : memref<41600x128xf32, #tpu.memory_space<hbm>> -> memref<41600x128xf32, #tpu.memory_space<hbm>>
        tpu.enqueue_indirect_dma source(%dma_start3A_250 : memref<41600x128xf32, #tpu.memory_space<hbm>>) target(%arg8 : memref<64x128xf32, #tpu.memory_space<vmem>>) offsets(%arg22 : memref<64xi32, #tpu.memory_space<vmem>>) semaphore(%arg35 : memref<!tpu.dma_semaphore, #tpu.memory_space<semaphore_mem>>)
        %dma_start3A_251 = arith.constant 0 : i32
        %dma_start3A_252 = arith.constant 0 : i32
        %dma_start3A_253 = tpu.memref_slice %arg4[%dma_start3A_251, %dma_start3A_252] : memref<41600x128xf32, #tpu.memory_space<hbm>> -> memref<41600x128xf32, #tpu.memory_space<hbm>>
        tpu.enqueue_indirect_dma source(%dma_start3A_253 : memref<41600x128xf32, #tpu.memory_space<hbm>>) target(%arg9 : memref<64x128xf32, #tpu.memory_space<vmem>>) offsets(%arg23 : memref<64xi32, #tpu.memory_space<vmem>>) semaphore(%arg35 : memref<!tpu.dma_semaphore, #tpu.memory_space<semaphore_mem>>)
        %dma_start3A_254 = arith.constant 0 : i32
        %dma_start3A_255 = arith.constant 0 : i32
        %dma_start3A_256 = tpu.memref_slice %arg4[%dma_start3A_254, %dma_start3A_255] : memref<41600x128xf32, #tpu.memory_space<hbm>> -> memref<41600x128xf32, #tpu.memory_space<hbm>>
        tpu.enqueue_indirect_dma source(%dma_start3A_256 : memref<41600x128xf32, #tpu.memory_space<hbm>>) target(%arg10 : memref<64x128xf32, #tpu.memory_space<vmem>>) offsets(%arg24 : memref<64xi32, #tpu.memory_space<vmem>>) semaphore(%arg35 : memref<!tpu.dma_semaphore, #tpu.memory_space<semaphore_mem>>)
        %dma_start3A_257 = arith.constant 0 : i32
        %dma_start3A_258 = arith.constant 0 : i32
        %dma_start3A_259 = tpu.memref_slice %arg4[%dma_start3A_257, %dma_start3A_258] : memref<41600x128xf32, #tpu.memory_space<hbm>> -> memref<41600x128xf32, #tpu.memory_space<hbm>>
        tpu.enqueue_indirect_dma source(%dma_start3A_259 : memref<41600x128xf32, #tpu.memory_space<hbm>>) target(%arg11 : memref<64x128xf32, #tpu.memory_space<vmem>>) offsets(%arg25 : memref<64xi32, #tpu.memory_space<vmem>>) semaphore(%arg35 : memref<!tpu.dma_semaphore, #tpu.memory_space<semaphore_mem>>)
        %dma_start3A_260 = arith.constant 0 : i32
        %dma_start3A_261 = arith.constant 0 : i32
        %dma_start3A_262 = tpu.memref_slice %arg5[%dma_start3A_260, %dma_start3A_261] : memref<512x128xf32, #tpu.memory_space<hbm>> -> memref<512x128xf32, #tpu.memory_space<hbm>>
        tpu.enqueue_indirect_dma source(%dma_start3A_262 : memref<512x128xf32, #tpu.memory_space<hbm>>) target(%arg17 : memref<64x128xf32, #tpu.memory_space<vmem>>) offsets(%arg31 : memref<64xi32, #tpu.memory_space<vmem>>) semaphore(%arg35 : memref<!tpu.dma_semaphore, #tpu.memory_space<semaphore_mem>>)
      } else {
      }
      %dma_wait3A_173 = arith.constant 0 : i32
      %dma_wait3A_174 = arith.constant 0 : i32
      %dma_wait3A_175 = tpu.memref_slice %arg4[%dma_wait3A_173, %dma_wait3A_174] : memref<41600x128xf32, #tpu.memory_space<hbm>> -> memref<41600x128xf32, #tpu.memory_space<hbm>>
      tpu.wait_indirect_dma semaphore(%arg36 : memref<!tpu.dma_semaphore, #tpu.memory_space<semaphore_mem>>) src(%dma_wait3A_175 : memref<41600x128xf32, #tpu.memory_space<hbm>>) dst(%arg12 : memref<64x128xf32, #tpu.memory_space<vmem>>)
      %dma_wait3A_176 = arith.constant 0 : i32
      %dma_wait3A_177 = arith.constant 0 : i32
      %dma_wait3A_178 = tpu.memref_slice %arg4[%dma_wait3A_176, %dma_wait3A_177] : memref<41600x128xf32, #tpu.memory_space<hbm>> -> memref<41600x128xf32, #tpu.memory_space<hbm>>
      tpu.wait_indirect_dma semaphore(%arg36 : memref<!tpu.dma_semaphore, #tpu.memory_space<semaphore_mem>>) src(%dma_wait3A_178 : memref<41600x128xf32, #tpu.memory_space<hbm>>) dst(%arg13 : memref<64x128xf32, #tpu.memory_space<vmem>>)
      %dma_wait3A_179 = arith.constant 0 : i32
      %dma_wait3A_180 = arith.constant 0 : i32
      %dma_wait3A_181 = tpu.memref_slice %arg4[%dma_wait3A_179, %dma_wait3A_180] : memref<41600x128xf32, #tpu.memory_space<hbm>> -> memref<41600x128xf32, #tpu.memory_space<hbm>>
      tpu.wait_indirect_dma semaphore(%arg36 : memref<!tpu.dma_semaphore, #tpu.memory_space<semaphore_mem>>) src(%dma_wait3A_181 : memref<41600x128xf32, #tpu.memory_space<hbm>>) dst(%arg14 : memref<64x128xf32, #tpu.memory_space<vmem>>)
      %dma_wait3A_182 = arith.constant 0 : i32
      %dma_wait3A_183 = arith.constant 0 : i32
      %dma_wait3A_184 = tpu.memref_slice %arg4[%dma_wait3A_182, %dma_wait3A_183] : memref<41600x128xf32, #tpu.memory_space<hbm>> -> memref<41600x128xf32, #tpu.memory_space<hbm>>
      tpu.wait_indirect_dma semaphore(%arg36 : memref<!tpu.dma_semaphore, #tpu.memory_space<semaphore_mem>>) src(%dma_wait3A_184 : memref<41600x128xf32, #tpu.memory_space<hbm>>) dst(%arg15 : memref<64x128xf32, #tpu.memory_space<vmem>>)
      %dma_wait3A_185 = arith.constant 0 : i32
      %dma_wait3A_186 = arith.constant 0 : i32
      %dma_wait3A_187 = tpu.memref_slice %arg4[%dma_wait3A_185, %dma_wait3A_186] : memref<41600x128xf32, #tpu.memory_space<hbm>> -> memref<41600x128xf32, #tpu.memory_space<hbm>>
      tpu.wait_indirect_dma semaphore(%arg36 : memref<!tpu.dma_semaphore, #tpu.memory_space<semaphore_mem>>) src(%dma_wait3A_187 : memref<41600x128xf32, #tpu.memory_space<hbm>>) dst(%arg16 : memref<64x128xf32, #tpu.memory_space<vmem>>)
      %dma_wait3A_188 = arith.constant 0 : i32
      %dma_wait3A_189 = arith.constant 0 : i32
      %dma_wait3A_190 = tpu.memref_slice %arg5[%dma_wait3A_188, %dma_wait3A_189] : memref<512x128xf32, #tpu.memory_space<hbm>> -> memref<512x128xf32, #tpu.memory_space<hbm>>
      tpu.wait_indirect_dma semaphore(%arg36 : memref<!tpu.dma_semaphore, #tpu.memory_space<semaphore_mem>>) src(%dma_wait3A_190 : memref<512x128xf32, #tpu.memory_space<hbm>>) dst(%arg18 : memref<64x128xf32, #tpu.memory_space<vmem>>)
      %add3A_191 = arith.constant 2 : i32
      %add3A_192 = arith.addi %add3A_165, %add3A_191 : i32
      %lt3A_193 = arith.constant 128 : i32
      %lt3A_194 = arith.cmpi slt, %add3A_192, %lt3A_193 : i32
      %convert_element_type3A_195 = arith.extui %lt3A_194 : i1 to i32
      %cond3A_196 = arith.constant 0 : i32
      %cond3A_197 = arith.cmpi ne, %convert_element_type3A_195, %cond3A_196 : i32
      scf.if %cond3A_197 {
        %add3A_218 = arith.constant 2 : i32
        %add3A_219 = arith.addi %add3A_165, %add3A_218 : i32
        %mul3A_220 = arith.constant 64 : i32
        %mul3A_221 = arith.muli %add3A_219, %mul3A_220 : i32
        %add3A_222 = arith.addi %mul3A_2, %mul3A_221 : i32
        %add3A_223 = arith.constant 0 : i32
        %add3A_224 = arith.addi %add3A_223, %add3A_222 : i32
        %add3A_225 = arith.constant 262144 : i32
        %add3A_226 = arith.addi %add3A_225, %add3A_222 : i32
        %add3A_227 = arith.constant 524288 : i32
        %add3A_228 = arith.addi %add3A_227, %add3A_222 : i32
        %add3A_229 = arith.constant 786432 : i32
        %add3A_230 = arith.addi %add3A_229, %add3A_222 : i32
        %add3A_231 = arith.constant 1048576 : i32
        %add3A_232 = arith.addi %add3A_231, %add3A_222 : i32
        %dma_start3A_233 = tpu.memref_slice %arg2[%add3A_224] : memref<1310720xi32, #tpu.memory_space<hbm>> -> memref<64xi32, #tpu.memory_space<hbm>>
        %dma_start3A_234 = tpu.memref_slice %arg2[%add3A_224] : memref<1310720xi32, #tpu.memory_space<hbm>> -> memref<64xi32, #tpu.memory_space<hbm>>
        tpu.enqueue_dma source(%dma_start3A_234 : memref<64xi32, #tpu.memory_space<hbm>>) target(%arg26 : memref<64xi32, #tpu.memory_space<vmem>>) target_semaphore(%arg34 : memref<!tpu.dma_semaphore, #tpu.memory_space<semaphore_mem>>)
        %dma_start3A_235 = tpu.memref_slice %arg2[%add3A_226] : memref<1310720xi32, #tpu.memory_space<hbm>> -> memref<64xi32, #tpu.memory_space<hbm>>
        %dma_start3A_236 = tpu.memref_slice %arg2[%add3A_226] : memref<1310720xi32, #tpu.memory_space<hbm>> -> memref<64xi32, #tpu.memory_space<hbm>>
        tpu.enqueue_dma source(%dma_start3A_236 : memref<64xi32, #tpu.memory_space<hbm>>) target(%arg27 : memref<64xi32, #tpu.memory_space<vmem>>) target_semaphore(%arg34 : memref<!tpu.dma_semaphore, #tpu.memory_space<semaphore_mem>>)
        %dma_start3A_237 = tpu.memref_slice %arg2[%add3A_228] : memref<1310720xi32, #tpu.memory_space<hbm>> -> memref<64xi32, #tpu.memory_space<hbm>>
        %dma_start3A_238 = tpu.memref_slice %arg2[%add3A_228] : memref<1310720xi32, #tpu.memory_space<hbm>> -> memref<64xi32, #tpu.memory_space<hbm>>
        tpu.enqueue_dma source(%dma_start3A_238 : memref<64xi32, #tpu.memory_space<hbm>>) target(%arg28 : memref<64xi32, #tpu.memory_space<vmem>>) target_semaphore(%arg34 : memref<!tpu.dma_semaphore, #tpu.memory_space<semaphore_mem>>)
        %dma_start3A_239 = tpu.memref_slice %arg2[%add3A_230] : memref<1310720xi32, #tpu.memory_space<hbm>> -> memref<64xi32, #tpu.memory_space<hbm>>
        %dma_start3A_240 = tpu.memref_slice %arg2[%add3A_230] : memref<1310720xi32, #tpu.memory_space<hbm>> -> memref<64xi32, #tpu.memory_space<hbm>>
        tpu.enqueue_dma source(%dma_start3A_240 : memref<64xi32, #tpu.memory_space<hbm>>) target(%arg29 : memref<64xi32, #tpu.memory_space<vmem>>) target_semaphore(%arg34 : memref<!tpu.dma_semaphore, #tpu.memory_space<semaphore_mem>>)
        %dma_start3A_241 = tpu.memref_slice %arg2[%add3A_232] : memref<1310720xi32, #tpu.memory_space<hbm>> -> memref<64xi32, #tpu.memory_space<hbm>>
        %dma_start3A_242 = tpu.memref_slice %arg2[%add3A_232] : memref<1310720xi32, #tpu.memory_space<hbm>> -> memref<64xi32, #tpu.memory_space<hbm>>
        tpu.enqueue_dma source(%dma_start3A_242 : memref<64xi32, #tpu.memory_space<hbm>>) target(%arg30 : memref<64xi32, #tpu.memory_space<vmem>>) target_semaphore(%arg34 : memref<!tpu.dma_semaphore, #tpu.memory_space<semaphore_mem>>)
        %dma_start3A_243 = tpu.memref_slice %arg3[%add3A_222] : memref<262144xi32, #tpu.memory_space<hbm>> -> memref<64xi32, #tpu.memory_space<hbm>>
        %dma_start3A_244 = tpu.memref_slice %arg3[%add3A_222] : memref<262144xi32, #tpu.memory_space<hbm>> -> memref<64xi32, #tpu.memory_space<hbm>>
        tpu.enqueue_dma source(%dma_start3A_244 : memref<64xi32, #tpu.memory_space<hbm>>) target(%arg32 : memref<64xi32, #tpu.memory_space<vmem>>) target_semaphore(%arg34 : memref<!tpu.dma_semaphore, #tpu.memory_space<semaphore_mem>>)
      } else {
      }
      %ge3A_198 = arith.constant 2 : i32
      %ge3A_199 = arith.cmpi sge, %add3A_165, %ge3A_198 : i32
      %convert_element_type3A_200 = arith.extui %ge3A_199 : i1 to i32
      %cond3A_201 = arith.constant 0 : i32
      %cond3A_202 = arith.cmpi ne, %convert_element_type3A_200, %cond3A_201 : i32
      scf.if %cond3A_202 {
        %sub3A = arith.constant 2 : i32
        %sub3A_218 = arith.subi %add3A_165, %sub3A : i32
        %mul3A_219 = arith.constant 64 : i32
        %mul3A_220 = arith.muli %sub3A_218, %mul3A_219 : i32
        %add3A_221 = arith.addi %mul3A_2, %mul3A_220 : i32
        %dma_wait3A_222 = arith.constant 0 : i32
        %dma_wait3A_223 = tpu.memref_slice %arg6[%add3A_221, %dma_wait3A_222] : memref<262144x32xf32, #tpu.memory_space<hbm>> -> memref<64x32xf32, #tpu.memory_space<hbm>>
        %dma_wait3A_224 = arith.constant 0 : i32
        %dma_wait3A_225 = tpu.memref_slice %arg6[%add3A_221, %dma_wait3A_224] : memref<262144x32xf32, #tpu.memory_space<hbm>> -> memref<64x32xf32, #tpu.memory_space<hbm>>
        tpu.wait_dma2 semaphore(%arg38 : memref<!tpu.dma_semaphore, #tpu.memory_space<semaphore_mem>>) src(%arg20 : memref<64x32xf32, #tpu.memory_space<vmem>>) dst(%dma_wait3A_225 : memref<64x32xf32, #tpu.memory_space<hbm>>)
      } else {
      }
      %scan3A_203 = arith.constant 0 : i32
      %scan3A_204 = arith.constant 0 : i32
      %scan3A_205 = arith.constant 64 : i32
      %scan3A_206 = arith.addi %scan3A_204, %scan3A_205 : i32
      %scan3A_207 = arith.constant 1 : i32
      %scan3A_208 = scf.for %scan3A_218 = %scan3A_204 to %scan3A_206 step %scan3A_207 iter_args(%scan3A_219 = %scan3A_203) -> (i32)  : i32 {
        %get3A = arith.index_cast %scan3A_218 : i32 to index
        %get3A_220 = arith.constant 32 : index
        %get3A_221 = tpu.vector_load %arg18[%get3A, %get3A_220] {strides = array<i32>} : memref<64x128xf32, #tpu.memory_space<vmem>>, vector<1x16xf32>,
        %get3A_222 = vector.shape_cast %get3A_221 : vector<1x16xf32> to vector<16xf32>
        %get3A_223 = arith.index_cast %scan3A_218 : i32 to index
        %get3A_224 = arith.constant 0 : index
        %get3A_225 = tpu.vector_load %arg12[%get3A_223, %get3A_224] {strides = array<i32>} : memref<64x128xf32, #tpu.memory_space<vmem>>, vector<1x16xf32>,
        %get3A_226 = vector.shape_cast %get3A_225 : vector<1x16xf32> to vector<16xf32>
        %get3A_227 = arith.index_cast %scan3A_218 : i32 to index
        %get3A_228 = arith.constant 0 : index
        %get3A_229 = tpu.vector_load %arg13[%get3A_227, %get3A_228] {strides = array<i32>} : memref<64x128xf32, #tpu.memory_space<vmem>>, vector<1x16xf32>,
        %get3A_230 = vector.shape_cast %get3A_229 : vector<1x16xf32> to vector<16xf32>
        %add3A_231 = arith.addf %get3A_226, %get3A_230 : vector<16xf32>
        %get3A_232 = arith.index_cast %scan3A_218 : i32 to index
        %get3A_233 = arith.constant 0 : index
        %get3A_234 = tpu.vector_load %arg14[%get3A_232, %get3A_233] {strides = array<i32>} : memref<64x128xf32, #tpu.memory_space<vmem>>, vector<1x16xf32>,
        %get3A_235 = vector.shape_cast %get3A_234 : vector<1x16xf32> to vector<16xf32>
        %get3A_236 = arith.index_cast %scan3A_218 : i32 to index
        %get3A_237 = arith.constant 0 : index
        %get3A_238 = tpu.vector_load %arg15[%get3A_236, %get3A_237] {strides = array<i32>} : memref<64x128xf32, #tpu.memory_space<vmem>>, vector<1x16xf32>,
        %get3A_239 = vector.shape_cast %get3A_238 : vector<1x16xf32> to vector<16xf32>
        %add3A_240 = arith.addf %get3A_235, %get3A_239 : vector<16xf32>
        %add3A_241 = arith.addf %add3A_231, %add3A_240 : vector<16xf32>
        %get3A_242 = arith.index_cast %scan3A_218 : i32 to index
        %get3A_243 = arith.constant 0 : index
        %get3A_244 = tpu.vector_load %arg16[%get3A_242, %get3A_243] {strides = array<i32>} : memref<64x128xf32, #tpu.memory_space<vmem>>, vector<1x16xf32>,
        %get3A_245 = vector.shape_cast %get3A_244 : vector<1x16xf32> to vector<16xf32>
        %add3A_246 = arith.addf %add3A_241, %get3A_245 : vector<16xf32>
        %get3A_247 = arith.index_cast %scan3A_218 : i32 to index
        %get3A_248 = arith.constant 16 : index
        %get3A_249 = tpu.vector_load %arg12[%get3A_247, %get3A_248] {strides = array<i32>} : memref<64x128xf32, #tpu.memory_space<vmem>>, vector<1x16xf32>,
        %get3A_250 = vector.shape_cast %get3A_249 : vector<1x16xf32> to vector<16xf32>
        %get3A_251 = arith.index_cast %scan3A_218 : i32 to index
        %get3A_252 = arith.constant 16 : index
        %get3A_253 = tpu.vector_load %arg13[%get3A_251, %get3A_252] {strides = array<i32>} : memref<64x128xf32, #tpu.memory_space<vmem>>, vector<1x16xf32>,
        %get3A_254 = vector.shape_cast %get3A_253 : vector<1x16xf32> to vector<16xf32>
        %add3A_255 = arith.addf %get3A_250, %get3A_254 : vector<16xf32>
        %get3A_256 = arith.index_cast %scan3A_218 : i32 to index
        %get3A_257 = arith.constant 16 : index
        %get3A_258 = tpu.vector_load %arg14[%get3A_256, %get3A_257] {strides = array<i32>} : memref<64x128xf32, #tpu.memory_space<vmem>>, vector<1x16xf32>,
        %get3A_259 = vector.shape_cast %get3A_258 : vector<1x16xf32> to vector<16xf32>
        %get3A_260 = arith.index_cast %scan3A_218 : i32 to index
        %get3A_261 = arith.constant 16 : index
        %get3A_262 = tpu.vector_load %arg15[%get3A_260, %get3A_261] {strides = array<i32>} : memref<64x128xf32, #tpu.memory_space<vmem>>, vector<1x16xf32>,
        %get3A_263 = vector.shape_cast %get3A_262 : vector<1x16xf32> to vector<16xf32>
        %add3A_264 = arith.addf %get3A_259, %get3A_263 : vector<16xf32>
        %add3A_265 = arith.addf %add3A_255, %add3A_264 : vector<16xf32>
        %get3A_266 = arith.index_cast %scan3A_218 : i32 to index
        %get3A_267 = arith.constant 16 : index
        %get3A_268 = tpu.vector_load %arg16[%get3A_266, %get3A_267] {strides = array<i32>} : memref<64x128xf32, #tpu.memory_space<vmem>>, vector<1x16xf32>,
        %get3A_269 = vector.shape_cast %get3A_268 : vector<1x16xf32> to vector<16xf32>
        %add3A_270 = arith.addf %add3A_265, %get3A_269 : vector<16xf32>
        %get3A_271 = arith.index_cast %scan3A_218 : i32 to index
        %get3A_272 = arith.constant 0 : index
        %get3A_273 = tpu.vector_load %arg18[%get3A_271, %get3A_272] {strides = array<i32>} : memref<64x128xf32, #tpu.memory_space<vmem>>, vector<1x16xf32>,
        %get3A_274 = vector.shape_cast %get3A_273 : vector<1x16xf32> to vector<16xf32>
        %mul3A_275 = arith.mulf %get3A_222, %add3A_246 : vector<16xf32>
        %add3A_276 = arith.addf %get3A_274, %mul3A_275 : vector<16xf32>
        %swap3A = arith.index_cast %scan3A_218 : i32 to index
        %swap3A_277 = arith.constant 0 : index
        %swap3A_278 = tpu.vector_load %arg20[%swap3A, %swap3A_277] {strides = array<i32>} : memref<64x32xf32, #tpu.memory_space<vmem>>, vector<1x16xf32>,
        %swap3A_279 = vector.shape_cast %swap3A_278 : vector<1x16xf32> to vector<16xf32>
        %swap3A_280 = vector.shape_cast %add3A_276 : vector<16xf32> to vector<1x16xf32>
        tpu.vector_store %arg20[%swap3A, %swap3A_277], %swap3A_280 {strides = array<i32>} : memref<64x32xf32, #tpu.memory_space<vmem>>, vector<1x16xf32>,
        %get3A_281 = arith.index_cast %scan3A_218 : i32 to index
        %get3A_282 = arith.constant 16 : index
        %get3A_283 = tpu.vector_load %arg18[%get3A_281, %get3A_282] {strides = array<i32>} : memref<64x128xf32, #tpu.memory_space<vmem>>, vector<1x16xf32>,
        %get3A_284 = vector.shape_cast %get3A_283 : vector<1x16xf32> to vector<16xf32>
        %mul3A_285 = arith.mulf %get3A_222, %add3A_270 : vector<16xf32>
        %add3A_286 = arith.addf %get3A_284, %mul3A_285 : vector<16xf32>
        %swap3A_287 = arith.index_cast %scan3A_218 : i32 to index
        %swap3A_288 = arith.constant 16 : index
        %swap3A_289 = tpu.vector_load %arg20[%swap3A_287, %swap3A_288] {strides = array<i32>} : memref<64x32xf32, #tpu.memory_space<vmem>>, vector<1x16xf32>,
        %swap3A_290 = vector.shape_cast %swap3A_289 : vector<1x16xf32> to vector<16xf32>
        %swap3A_291 = vector.shape_cast %add3A_286 : vector<16xf32> to vector<1x16xf32>
        tpu.vector_store %arg20[%swap3A_287, %swap3A_288], %swap3A_291 {strides = array<i32>} : memref<64x32xf32, #tpu.memory_space<vmem>>, vector<1x16xf32>,
        %scan3A_292 = arith.constant 0 : i32
        scf.yield %scan3A_292 : i32
      }
      %scan3A_209 = arith.constant 64 : i32
      %mul3A_210 = arith.constant 64 : i32
      %mul3A_211 = arith.muli %add3A_165, %mul3A_210 : i32
      %add3A_212 = arith.addi %mul3A_2, %mul3A_211 : i32
      %dma_start3A_213 = arith.constant 0 : i32
      %dma_start3A_214 = tpu.memref_slice %arg6[%add3A_212, %dma_start3A_213] : memref<262144x32xf32, #tpu.memory_space<hbm>> -> memref<64x32xf32, #tpu.memory_space<hbm>>
      %dma_start3A_215 = arith.constant 0 : i32
      %dma_start3A_216 = tpu.memref_slice %arg6[%add3A_212, %dma_start3A_215] : memref<262144x32xf32, #tpu.memory_space<hbm>> -> memref<64x32xf32, #tpu.memory_space<hbm>>
      tpu.enqueue_dma source(%arg20 : memref<64x32xf32, #tpu.memory_space<vmem>>) target(%dma_start3A_216 : memref<64x32xf32, #tpu.memory_space<hbm>>) target_semaphore(%arg38 : memref<!tpu.dma_semaphore, #tpu.memory_space<semaphore_mem>>)
      %scan3A_217 = arith.constant 0 : i32
      scf.yield %scan3A_217 : i32
    }
    %scan3A_96 = arith.constant 64 : i32
    %add3A_97 = arith.constant 8064 : i32
    %add3A_98 = arith.addi %mul3A_2, %add3A_97 : i32
    %dma_wait3A_99 = arith.constant 0 : i32
    %dma_wait3A_100 = tpu.memref_slice %arg6[%add3A_98, %dma_wait3A_99] : memref<262144x32xf32, #tpu.memory_space<hbm>> -> memref<64x32xf32, #tpu.memory_space<hbm>>
    %dma_wait3A_101 = arith.constant 0 : i32
    %dma_wait3A_102 = tpu.memref_slice %arg6[%add3A_98, %dma_wait3A_101] : memref<262144x32xf32, #tpu.memory_space<hbm>> -> memref<64x32xf32, #tpu.memory_space<hbm>>
    tpu.wait_dma2 semaphore(%arg37 : memref<!tpu.dma_semaphore, #tpu.memory_space<semaphore_mem>>) src(%arg19 : memref<64x32xf32, #tpu.memory_space<vmem>>) dst(%dma_wait3A_102 : memref<64x32xf32, #tpu.memory_space<hbm>>)
    %add3A_103 = arith.constant 8128 : i32
    %add3A_104 = arith.addi %mul3A_2, %add3A_103 : i32
    %dma_wait3A_105 = arith.constant 0 : i32
    %dma_wait3A_106 = tpu.memref_slice %arg6[%add3A_104, %dma_wait3A_105] : memref<262144x32xf32, #tpu.memory_space<hbm>> -> memref<64x32xf32, #tpu.memory_space<hbm>>
    %dma_wait3A_107 = arith.constant 0 : i32
    %dma_wait3A_108 = tpu.memref_slice %arg6[%add3A_104, %dma_wait3A_107] : memref<262144x32xf32, #tpu.memory_space<hbm>> -> memref<64x32xf32, #tpu.memory_space<hbm>>
    tpu.wait_dma2 semaphore(%arg38 : memref<!tpu.dma_semaphore, #tpu.memory_space<semaphore_mem>>) src(%arg20 : memref<64x32xf32, #tpu.memory_space<vmem>>) dst(%dma_wait3A_108 : memref<64x32xf32, #tpu.memory_space<hbm>>)
    return
  }
}

module attributes {stable_mosaic.version = 14 : i64} {
  func.func @_precompute_body(%arg0: memref<8192x7xf32, #tpu.memory_space<vmem>>, %arg1: memref<7x64xf32, #tpu.memory_space<vmem>>, %arg2: memref<1x64xf32, #tpu.memory_space<vmem>>, %arg3: memref<64x32xf32, #tpu.memory_space<vmem>>, %arg4: memref<1x32xf32, #tpu.memory_space<vmem>>, %arg5: memref<32x160xf32, #tpu.memory_space<vmem>>, %arg6: memref<2048x768xf32, #tpu.memory_space<vmem>>, %arg7: memref<768x32xf32, #tpu.memory_space<vmem>>, %arg8: memref<8192x160xf32, #tpu.memory_space<vmem>>, %arg9: memref<2048x256xf32, #tpu.memory_space<vmem>>) attributes {dimension_semantics = [], scalar_prefetch = 0 : i64, scratch_operands = 0 : i64, tpu.core_type = #tpu.core_type<tc>} {
    %get3A = arith.constant 0 : index
    %get3A_0 = arith.constant 0 : index
    %get3A_1 = vector.load %arg5[%get3A, %get3A_0] : memref<32x160xf32, #tpu.memory_space<vmem>>, vector<32x160xf32>
    %get3A_2 = arith.constant 0 : index
    %get3A_3 = arith.constant 0 : index
    %get3A_4 = vector.load %arg3[%get3A_2, %get3A_3] : memref<64x32xf32, #tpu.memory_space<vmem>>, vector<64x32xf32>
    %dot_general3A = arith.constant dense<0.000000e+00> : vector<64x160xf32>
    %dot_general3A_5 = tpu.matmul %get3A_4, %get3A_1, %dot_general3A {dimension_numbers = #tpu.dot_dimension_numbers<[1], [0], [0], [1], [0, 0, 1, 1], [], []>, transpose_lhs_hint = false} : vector<64x32xf32>, vector<32x160xf32>, vector<64x160xf32> -> vector<64x160xf32>
    %get3A_6 = arith.constant 0 : index
    %get3A_7 = arith.constant 0 : index
    %get3A_8 = vector.load %arg4[%get3A_6, %get3A_7] : memref<1x32xf32, #tpu.memory_space<vmem>>, vector<1x32xf32>
    %dot_general3A_9 = arith.constant dense<0.000000e+00> : vector<1x160xf32>
    %dot_general3A_10 = tpu.matmul %get3A_8, %get3A_1, %dot_general3A_9 {dimension_numbers = #tpu.dot_dimension_numbers<[1], [0], [0], [1], [0, 0, 1, 1], [], []>, transpose_lhs_hint = false} : vector<1x32xf32>, vector<32x160xf32>, vector<1x160xf32> -> vector<1x160xf32>
    %get3A_11 = arith.constant 0 : index
    %get3A_12 = arith.constant 0 : index
    %get3A_13 = vector.load %arg0[%get3A_11, %get3A_12] : memref<8192x7xf32, #tpu.memory_space<vmem>>, vector<8192x7xf32>
    %get3A_14 = arith.constant 0 : index
    %get3A_15 = arith.constant 0 : index
    %get3A_16 = vector.load %arg1[%get3A_14, %get3A_15] : memref<7x64xf32, #tpu.memory_space<vmem>>, vector<7x64xf32>
    %dot_general3A_17 = arith.constant dense<0.000000e+00> : vector<8192x64xf32>
    %dot_general3A_18 = tpu.matmul %get3A_13, %get3A_16, %dot_general3A_17 {dimension_numbers = #tpu.dot_dimension_numbers<[1], [0], [0], [1], [0, 0, 1, 1], [], []>, transpose_lhs_hint = false} : vector<8192x7xf32>, vector<7x64xf32>, vector<8192x64xf32> -> vector<8192x64xf32>
    %get3A_19 = arith.constant 0 : index
    %get3A_20 = arith.constant 0 : index
    %get3A_21 = vector.load %arg2[%get3A_19, %get3A_20] : memref<1x64xf32, #tpu.memory_space<vmem>>, vector<1x64xf32>
    %add3A = vector.broadcast %get3A_21 : vector<1x64xf32> to vector<8192x64xf32>
    %add3A_22 = arith.addf %dot_general3A_18, %add3A : vector<8192x64xf32>
    %max3A = arith.constant 0.000000e+00 : f32
    %max3A_23 = vector.broadcast %max3A : f32 to vector<8192x64xf32>
    %max3A_24 = arith.maximumf %add3A_22, %max3A_23 : vector<8192x64xf32>
    %dot_general3A_25 = arith.constant dense<0.000000e+00> : vector<8192x160xf32>
    %dot_general3A_26 = tpu.matmul %max3A_24, %dot_general3A_5, %dot_general3A_25 {dimension_numbers = #tpu.dot_dimension_numbers<[1], [0], [0], [1], [0, 0, 1, 1], [], []>, transpose_lhs_hint = false} : vector<8192x64xf32>, vector<64x160xf32>, vector<8192x160xf32> -> vector<8192x160xf32>
    %add3A_27 = vector.broadcast %dot_general3A_10 : vector<1x160xf32> to vector<8192x160xf32>
    %add3A_28 = arith.addf %dot_general3A_26, %add3A_27 : vector<8192x160xf32>
    %swap3A = arith.constant 0 : index
    %swap3A_29 = arith.constant 0 : index
    %swap3A_30 = vector.load %arg8[%swap3A, %swap3A_29] : memref<8192x160xf32, #tpu.memory_space<vmem>>, vector<8192x160xf32>
    tpu.vector_store %arg8[%swap3A, %swap3A_29], %add3A_28 {strides = array<i32>} : memref<8192x160xf32, #tpu.memory_space<vmem>>, vector<8192x160xf32>,
    %get3A_31 = arith.constant 0 : index
    %get3A_32 = arith.constant 0 : index
    %get3A_33 = vector.load %arg7[%get3A_31, %get3A_32] : memref<768x32xf32, #tpu.memory_space<vmem>>, vector<768x32xf32>
    %dot_general3A_34 = arith.constant dense<0.000000e+00> : vector<768x160xf32>
    %dot_general3A_35 = tpu.matmul %get3A_33, %get3A_1, %dot_general3A_34 {dimension_numbers = #tpu.dot_dimension_numbers<[1], [0], [0], [1], [0, 0, 1, 1], [], []>, transpose_lhs_hint = false} : vector<768x32xf32>, vector<32x160xf32>, vector<768x160xf32> -> vector<768x160xf32>
    %get3A_36 = arith.constant 0 : index
    %get3A_37 = arith.constant 0 : index
    %get3A_38 = vector.load %arg6[%get3A_36, %get3A_37] : memref<2048x768xf32, #tpu.memory_space<vmem>>, vector<2048x768xf32>
    %dot_general3A_39 = arith.constant dense<0.000000e+00> : vector<2048x160xf32>
    %dot_general3A_40 = tpu.matmul %get3A_38, %dot_general3A_35, %dot_general3A_39 {dimension_numbers = #tpu.dot_dimension_numbers<[1], [0], [0], [1], [0, 0, 1, 1], [], []>, transpose_lhs_hint = false} : vector<2048x768xf32>, vector<768x160xf32>, vector<2048x160xf32> -> vector<2048x160xf32>
    %swap3A_41 = arith.constant 0 : index
    %swap3A_42 = arith.constant 0 : index
    %swap3A_43 = vector.load %arg9[%swap3A_41, %swap3A_42] : memref<2048x256xf32, #tpu.memory_space<vmem>>, vector<2048x160xf32>
    tpu.vector_store %arg9[%swap3A_41, %swap3A_42], %dot_general3A_40 {strides = array<i32>} : memref<2048x256xf32, #tpu.memory_space<vmem>>, vector<2048x160xf32>,
    return
  }
}

module attributes {stable_mosaic.version = 14 : i64} {
  func.func @_assemble_body(%arg0: i32, %arg1: memref<1x129x129xf32, #tpu.memory_space<vmem>>, %arg2: memref<1x16384x32xf32, #tpu.memory_space<vmem>>, %arg3: memref<1x16384x32xf32, #tpu.memory_space<vmem>>, %arg4: memref<1x16384x32xf32, #tpu.memory_space<vmem>>, %arg5: memref<96x32xf32, #tpu.memory_space<vmem>>, %arg6: memref<1x32xf32, #tpu.memory_space<vmem>>, %arg7: memref<1x32xf32, #tpu.memory_space<vmem>>, %arg8: memref<1x32x129x129xf32, #tpu.memory_space<vmem>>) attributes {dimension_semantics = [#tpu.dimension_semantics<arbitrary>], iteration_bounds = array<i64: 16>, scalar_prefetch = 0 : i64, scratch_operands = 0 : i64, tpu.core_type = #tpu.core_type<tc>, window_params = [{transform_indices = @transform_0, window_bounds = array<i64: 1, 129, 129>}, {transform_indices = @transform_1, window_bounds = array<i64: 1, 16384, 32>}, {transform_indices = @transform_2, window_bounds = array<i64: 1, 16384, 32>}, {transform_indices = @transform_3, window_bounds = array<i64: 1, 16384, 32>}, {pipeline_mode = #tpu.pipeline_mode<synchronous>, transform_indices = @transform_4, window_bounds = array<i64: 96, 32>}, {pipeline_mode = #tpu.pipeline_mode<synchronous>, transform_indices = @transform_5, window_bounds = array<i64: 1, 32>}, {pipeline_mode = #tpu.pipeline_mode<synchronous>, transform_indices = @transform_6, window_bounds = array<i64: 1, 32>}, {transform_indices = @transform_7, window_bounds = array<i64: 1, 32, 129, 129>}]} {
    %get3A = arith.constant 0 : index
    %get3A_0 = arith.constant 0 : index
    %get3A_1 = arith.constant 0 : index
    %get3A_2 = vector.load %arg2[%get3A, %get3A_0, %get3A_1] : memref<1x16384x32xf32, #tpu.memory_space<vmem>>, vector<1x16384x32xf32>
    %get3A_3 = vector.shape_cast %get3A_2 : vector<1x16384x32xf32> to vector<16384x32xf32>
    %convert_element_type3A = arith.truncf %get3A_3 : vector<16384x32xf32> to vector<16384x32xbf16>
    %get3A_4 = arith.constant 0 : index
    %get3A_5 = arith.constant 0 : index
    %get3A_6 = arith.constant 0 : index
    %get3A_7 = vector.load %arg3[%get3A_4, %get3A_5, %get3A_6] : memref<1x16384x32xf32, #tpu.memory_space<vmem>>, vector<1x16384x32xf32>
    %get3A_8 = vector.shape_cast %get3A_7 : vector<1x16384x32xf32> to vector<16384x32xf32>
    %convert_element_type3A_9 = arith.truncf %get3A_8 : vector<16384x32xf32> to vector<16384x32xbf16>
    %get3A_10 = arith.constant 0 : index
    %get3A_11 = arith.constant 0 : index
    %get3A_12 = arith.constant 0 : index
    %get3A_13 = vector.load %arg4[%get3A_10, %get3A_11, %get3A_12] : memref<1x16384x32xf32, #tpu.memory_space<vmem>>, vector<1x16384x32xf32>
    %get3A_14 = vector.shape_cast %get3A_13 : vector<1x16384x32xf32> to vector<16384x32xf32>
    %convert_element_type3A_15 = arith.truncf %get3A_14 : vector<16384x32xf32> to vector<16384x32xbf16>
    %concatenate3A = tpu.concatenate %convert_element_type3A, %convert_element_type3A_9, %convert_element_type3A_15 in 1 : vector<16384x32xbf16>, vector<16384x32xbf16>, vector<16384x32xbf16> -> vector<16384x96xbf16>
    %get3A_16 = arith.constant 0 : index
    %get3A_17 = arith.constant 0 : index
    %get3A_18 = vector.load %arg5[%get3A_16, %get3A_17] : memref<96x32xf32, #tpu.memory_space<vmem>>, vector<96x32xf32>
    %convert_element_type3A_19 = arith.truncf %get3A_18 : vector<96x32xf32> to vector<96x32xbf16>
    %dot_general3A = arith.constant dense<0.000000e+00> : vector<32x16384xf32>
    %dot_general3A_20 = tpu.matmul %convert_element_type3A_19, %concatenate3A, %dot_general3A {dimension_numbers = #tpu.dot_dimension_numbers<[0], [1], [1], [0], [0, 1, 1, 0], [], []>, transpose_lhs_hint = false} : vector<96x32xbf16>, vector<16384x96xbf16>, vector<32x16384xf32> -> vector<32x16384xf32>
    %get3A_21 = arith.constant 0 : index
    %get3A_22 = arith.constant 0 : index
    %get3A_23 = vector.load %arg6[%get3A_21, %get3A_22] : memref<1x32xf32, #tpu.memory_space<vmem>>, vector<1x32xf32>
    %reshape3A = vector.shape_cast %get3A_23 : vector<1x32xf32> to vector<32x1xf32>
    %add3A = vector.broadcast %reshape3A : vector<32x1xf32> to vector<32x16384xf32>
    %add3A_24 = arith.addf %dot_general3A_20, %add3A : vector<32x16384xf32>
    %reshape3A_25 = vector.shape_cast %add3A_24 : vector<32x16384xf32> to vector<32x128x128xf32>
    %get3A_26 = arith.constant 0 : index
    %get3A_27 = arith.constant 0 : index
    %get3A_28 = arith.constant 0 : index
    %get3A_29 = vector.load %arg1[%get3A_26, %get3A_27, %get3A_28] : memref<1x129x129xf32, #tpu.memory_space<vmem>>, vector<1x129x129xf32>
    %get3A_30 = vector.shape_cast %get3A_29 : vector<1x129x129xf32> to vector<129x129xf32>
    %mul3A = arith.constant 2.000000e+00 : f32
    %mul3A_31 = vector.broadcast %mul3A : f32 to vector<129x129xf32>
    %mul3A_32 = arith.mulf %get3A_30, %mul3A_31 : vector<129x129xf32>
    %get3A_33 = arith.constant 0 : index
    %get3A_34 = arith.constant 0 : index
    %get3A_35 = vector.load %arg7[%get3A_33, %get3A_34] : memref<1x32xf32, #tpu.memory_space<vmem>>, vector<1x32xf32>
    %reshape3A_36 = vector.shape_cast %get3A_35 : vector<1x32xf32> to vector<32x1xf32>
    %slice3A = vector.extract_strided_slice %mul3A_32 {offsets = [0, 0], sizes = [1, 129], strides = [1, 1]} : vector<129x129xf32> to vector<1x129xf32>
    %add3A_37 = vector.broadcast %slice3A : vector<1x129xf32> to vector<32x129xf32>
    %add3A_38 = vector.broadcast %reshape3A_36 : vector<32x1xf32> to vector<32x129xf32>
    %add3A_39 = arith.addf %add3A_37, %add3A_38 : vector<32x129xf32>
    %slice3A_40 = vector.extract_strided_slice %mul3A_32 {offsets = [1, 0], sizes = [128, 1], strides = [1, 1]} : vector<129x129xf32> to vector<128x1xf32>
    %reshape3A_41 = vector.shape_cast %slice3A_40 : vector<128x1xf32> to vector<1x128xf32>
    %add3A_42 = vector.broadcast %reshape3A_41 : vector<1x128xf32> to vector<32x128xf32>
    %add3A_43 = vector.broadcast %reshape3A_36 : vector<32x1xf32> to vector<32x128xf32>
    %add3A_44 = arith.addf %add3A_42, %add3A_43 : vector<32x128xf32>
    %slice3A_45 = vector.extract_strided_slice %mul3A_32 {offsets = [1, 1], sizes = [128, 128], strides = [1, 1]} : vector<129x129xf32> to vector<128x128xf32>
    %broadcast_in_dim3A = vector.shape_cast %slice3A_45 : vector<128x128xf32> to vector<1x128x128xf32>
    %add3A_46 = vector.broadcast %broadcast_in_dim3A : vector<1x128x128xf32> to vector<32x128x128xf32>
    %add3A_47 = arith.addf %reshape3A_25, %add3A_46 : vector<32x128x128xf32>
    %swap3A = arith.constant 0 : index
    %swap3A_48 = arith.constant 0 : index
    %swap3A_49 = arith.constant 0 : index
    %swap3A_50 = arith.constant 0 : index
    %swap3A_51 = vector.load %arg8[%swap3A, %swap3A_48, %swap3A_49, %swap3A_50] : memref<1x32x129x129xf32, #tpu.memory_space<vmem>>, vector<1x32x1x129xf32>
    %swap3A_52 = vector.shape_cast %swap3A_51 : vector<1x32x1x129xf32> to vector<32x129xf32>
    %swap3A_53 = vector.shape_cast %add3A_39 : vector<32x129xf32> to vector<1x32x1x129xf32>
    tpu.vector_store %arg8[%swap3A, %swap3A_48, %swap3A_49, %swap3A_50], %swap3A_53 {strides = array<i32>} : memref<1x32x129x129xf32, #tpu.memory_space<vmem>>, vector<1x32x1x129xf32>,
    %broadcast_in_dim3A_54 = vector.shape_cast %add3A_44 : vector<32x128xf32> to vector<32x128x1xf32>
    %concatenate3A_55 = tpu.concatenate %broadcast_in_dim3A_54, %add3A_47 in 2 : vector<32x128x1xf32>, vector<32x128x128xf32> -> vector<32x128x129xf32>
    %swap3A_56 = arith.constant 0 : index
    %swap3A_57 = arith.constant 0 : index
    %swap3A_58 = arith.constant 1 : index
    %swap3A_59 = arith.constant 0 : index
    %swap3A_60 = vector.load %arg8[%swap3A_56, %swap3A_57, %swap3A_58, %swap3A_59] : memref<1x32x129x129xf32, #tpu.memory_space<vmem>>, vector<1x32x128x129xf32>
    %swap3A_61 = vector.shape_cast %swap3A_60 : vector<1x32x128x129xf32> to vector<32x128x129xf32>
    %swap3A_62 = vector.shape_cast %concatenate3A_55 : vector<32x128x129xf32> to vector<1x32x128x129xf32>
    tpu.vector_store %arg8[%swap3A_56, %swap3A_57, %swap3A_58, %swap3A_59], %swap3A_62 {strides = array<i32>} : memref<1x32x129x129xf32, #tpu.memory_space<vmem>>, vector<1x32x128x129xf32>,
    return
  }
  func.func @transform_0(%arg0: i32) -> (i32, i32, i32) {
    %c0_i32 = arith.constant 0 : i32
    %c0_i32_0 = arith.constant 0 : i32
    %c0_i32_1 = arith.constant 0 : i32
    return %arg0, %c0_i32, %c0_i32_0 : i32, i32, i32
  }
  func.func @transform_1(%arg0: i32) -> (i32, i32, i32) {
    %c0_i32 = arith.constant 0 : i32
    %c0_i32_0 = arith.constant 0 : i32
    %c0_i32_1 = arith.constant 0 : i32
    return %arg0, %c0_i32, %c0_i32_0 : i32, i32, i32
  }
  func.func @transform_2(%arg0: i32) -> (i32, i32, i32) {
    %c0_i32 = arith.constant 0 : i32
    %c0_i32_0 = arith.constant 0 : i32
    %c0_i32_1 = arith.constant 0 : i32
    return %arg0, %c0_i32, %c0_i32_0 : i32, i32, i32
  }
  func.func @transform_3(%arg0: i32) -> (i32, i32, i32) {
    %c0_i32 = arith.constant 0 : i32
    %c0_i32_0 = arith.constant 0 : i32
    %c0_i32_1 = arith.constant 0 : i32
    return %arg0, %c0_i32, %c0_i32_0 : i32, i32, i32
  }
  func.func @transform_4(%arg0: i32) -> (i32, i32) {
    %c0_i32 = arith.constant 0 : i32
    %c0_i32_0 = arith.constant 0 : i32
    %c0_i32_1 = arith.constant 0 : i32
    return %c0_i32, %c0_i32_0 : i32, i32
  }
  func.func @transform_5(%arg0: i32) -> (i32, i32) {
    %c0_i32 = arith.constant 0 : i32
    %c0_i32_0 = arith.constant 0 : i32
    %c0_i32_1 = arith.constant 0 : i32
    return %c0_i32, %c0_i32_0 : i32, i32
  }
  func.func @transform_6(%arg0: i32) -> (i32, i32) {
    %c0_i32 = arith.constant 0 : i32
    %c0_i32_0 = arith.constant 0 : i32
    %c0_i32_1 = arith.constant 0 : i32
    return %c0_i32, %c0_i32_0 : i32, i32
  }
  func.func @transform_7(%arg0: i32) -> (i32, i32, i32, i32) {
    %c0_i32 = arith.constant 0 : i32
    %c0_i32_0 = arith.constant 0 : i32
    %c0_i32_1 = arith.constant 0 : i32
    %c0_i32_2 = arith.constant 0 : i32
    return %arg0, %c0_i32, %c0_i32_0, %c0_i32_1 : i32, i32, i32, i32
  }
}

</mosaic_0001>

<sc_bundles>
// kernel: kernel.6.cloned.1.call-start
scs
__scs_entry_jumppad:
0x0: {  	(pc) =	sbr.rel $0x88, $3  }
0x1: {  	(tag) =	ssettag $0x0;
	lr =	simm.s32 $0x1  }
0x2: {  	[smem:$0x3F8C] =	sst lr;
	_ =	strace $0xD0000000  }
0x3: {  	_ = 	snop  }
0x4: {  	_ = 	snop  }
0x5: {  	_ = 	snop  }
0x6: {  	_ = 	snop  }
0x7: {  	_ = 	snop  }
__scs_overlays_trampoline_lowered:
0x8: {  	[smem:$0x3F9B] =	sst s0  }
0x9: {  	[smem:$0x3F9C] =	sst s1  }
0xa: {  	[smem:$0x3F9D] =	sst s2  }
0xb: {  	[smem:$0x3F9E] =	sst s3  }
0xc: {  	[smem:$0x3F9F] =	sst s4  }
0xd: {  	[smem:$0x3FA0] =	sst s5  }
0xe: {  	[smem:$0x3FA1] =	sst s6  }
0xf: {  	[smem:$0x3FA2] =	sst s7  }
0x10: {  	[smem:$0x3FA3] =	sst s8  }
0x11: {  	[smem:$0x3FA4] =	sst s9;
	s0 =	simm.s32 @!p0 $0x0  }
0x12: {  	s1 =	sld [smem:$0x3F8A];
	s0 =	simm.s32 @p0 $0x1  }
0x13: {  	[smem:$0x3FA5] =	sst s0;
	s0 =	simm.s32 @!p1 $0x0  }
0x14: {  	s2 =	sld [smem:$0x3F89];
	s0 =	simm.s32 @p1 $0x1  }
0x15: {  	[smem:$0x3FA6] =	sst s0;
	s0 =	simm.s32 @!p2 $0x0  }
0x16: {  	s3 =	sld [smem:$0x3FDB];
	s0 =	simm.s32 @p2 $0x1  }
0x17: {  	s4 =	simm.s32 $0x1BF5;
	[smem:$0x3FA8] =	sst s0  }
0x18: {  	s0 =	sld [smem:$0x3F8B];
	_ =	swait.ge [sflag:s4], $0x0  }
0x19: {  	s7 =	sld [smem:$0x3F8C]  }
0x1a: {  	s8 =	sadd.s32 $0xFFFFE003, lr  }
0x1b: {  	s9 =	sadd.s32 $0xFFFFFEF7, lr;
	s5 =	simm.s32 $0xFFFFFFFF;
	p2 =	slt.u32 s8, $0xFFFFF086  }
0x1c: {  	p1 =	slt.u32 s9, $0xF7A;
	s5 =	simm.s32 @!p2 $0x0  }
0x1d: {  	s5 =	simm.s32 @p1 $0x1;
	p0 =	seq.s32 s7, s2  }
0x1e: {  	s7 =	smul.u32 @!p0 $0xF7A, s2;
	p2 =	seq.s32 @!p0 s5, $0x0  }
0x1f: {  	s9 =	smul.u32 $0xF7A, s1;
	s8 =	simm.s32 @!p0 $0x1BF5;
	p2 =	por !p2, p0  }
0x20: {  	[sflag:s8] =	ssyncset.s32 @!p0 $0xFFFFF086;
	s6 =	sadd.s32 @!p0 s3, s7;
	s7 =	simm.s32 @!p0 $0x108  }
0x21: {  	s3 =	sadd.s32 s3, s9;
	s6 =	sadd.s32 @!p0 $0x88, s6;
	s7 =	simm.s32 @p2 $0x1082  }
0x22: {  	[simem:s7], [sflag:s8] =	dma.local @!p0 [hbm:s6], $0xF7A  }
0x23: {  	s9 =	sor.u32 $0xD0000000, s2;
	s6 =	simm.s32 $0x108;
	_ =	swait.ge @!p0 [sflag:s8], $0x0  }
0x24: {  	s3 =	sadd.s32 $0x88, s3;
	s6 =	simm.s32 @!p1 $0x1082;
	[sflag:s4] =	ssyncset.s32 $0xFFFFF086  }
0x25: {  	[simem:s6], [sflag:s4] =	dma.local [hbm:s3], $0xF7A  }
0x26: {  	[smem:$0x3F8C] =	sst s1;
	(tag) =	ssettag s2;
	_ =	strace s9  }
0x27: {  	s1 =	sld [smem:$0x3F9C]  }
0x28: {  	s2 =	sld [smem:$0x3F9D]  }
0x29: {  	s4 =	sld [smem:$0x3F9F]  }
0x2a: {  	p0 =	seq.s32 s5, $0x0;
	s5 =	sld [smem:$0x3FA0]  }
0x2b: {  	s6 =	sld [smem:$0x3FA1]  }
0x2c: {  	s7 =	sld [smem:$0x3FA2]  }
0x2d: {  	s3 =	simm.s32 $0x108;
	s8 =	sld [smem:$0x3FA3]  }
0x2e: {  	s3 =	simm.s32 @!p0 $0x1082;
	s9 =	sld [smem:$0x3FA4]  }
0x2f: {  	lr =	sadd.s32 s0, s3;
	s0 =	sld [smem:$0x3F9B]  }
0x30: {  	s3 =	sld [smem:$0x3F9E]  }
0x31: {  	[smem:$0x3FA7] =	sst s10  }
0x32: {  	s10 =	sld [smem:$0x3FA5];
	_ =	sdelay $0x3  }
0x33: {  	p0 =	seq.s32 s10, $0x1;
	s10 =	sld [smem:$0x3FA7];
	_ =	sdelay $0x3  }
0x34: {  	[smem:$0x3FA7] =	sst s10  }
0x35: {  	s10 =	sld [smem:$0x3FA6];
	_ =	sdelay $0x3  }
0x36: {  	p1 =	seq.s32 s10, $0x1;
	s10 =	sld [smem:$0x3FA7];
	_ =	sdelay $0x3  }
0x37: {  	[smem:$0x3FA7] =	sst s10  }
0x38: {  	s10 =	sld [smem:$0x3FA8]  }
0x39: {  	_ = 	snop;
	(pc) =	sbr.ind lr, $3  }
0x3a: {  	_ = 	snop  }
0x3b: {  	_ = 	snop  }
0x3c: {  	p2 =	seq.s32 s10, $0x1;
	s10 =	sld [smem:$0x3FA7]  }
0x3d: {  	_ =	shalt  }
0x3e: {  	_ =	shalt  }
0x3f: {  	_ =	shalt  }
0x40: {  	_ =	shalt  }
0x41: {  	_ =	shalt  }
0x42: {  	_ =	shalt  }
0x43: {  	_ =	shalt  }
0x44: {  	_ =	shalt  }
0x45: {  	_ =	shalt  }
0x46: {  	_ =	shalt  }
0x47: {  	_ =	shalt  }
0x48: {  	_ =	shalt  }
0x49: {  	_ =	shalt  }
0x4a: {  	_ =	shalt  }
0x4b: {  	_ =	shalt  }
0x4c: {  	_ =	shalt  }
0x4d: {  	_ =	shalt  }
0x4e: {  	_ =	shalt  }
0x4f: {  	_ =	shalt  }
0x50: {  	_ =	shalt  }
0x51: {  	_ =	shalt  }
0x52: {  	_ =	shalt  }
0x53: {  	_ =	shalt  }
0x54: {  	_ =	shalt  }
0x55: {  	_ =	shalt  }
0x56: {  	_ =	shalt  }
0x57: {  	_ =	shalt  }
0x58: {  	_ =	shalt  }
0x59: {  	_ =	shalt  }
0x5a: {  	_ =	shalt  }
0x5b: {  	_ =	shalt  }
0x5c: {  	_ =	shalt  }
0x5d: {  	_ =	shalt  }
0x5e: {  	_ =	shalt  }
0x5f: {  	_ =	shalt  }
0x60: {  	_ =	shalt  }
0x61: {  	_ =	shalt  }
0x62: {  	_ =	shalt  }
0x63: {  	_ =	shalt  }
0x64: {  	_ =	shalt  }
0x65: {  	_ =	shalt  }
0x66: {  	_ =	shalt  }
0x67: {  	_ =	shalt  }
0x68: {  	_ =	shalt  }
0x69: {  	_ =	shalt  }
0x6a: {  	_ =	shalt  }
0x6b: {  	_ =	shalt  }
0x6c: {  	_ =	shalt  }
0x6d: {  	_ =	shalt  }
0x6e: {  	_ =	shalt  }
0x6f: {  	_ =	shalt  }
0x70: {  	_ =	shalt  }
0x71: {  	_ =	shalt  }
0x72: {  	_ =	shalt  }
0x73: {  	_ =	shalt  }
0x74: {  	_ =	shalt  }
0x75: {  	_ =	shalt  }
0x76: {  	_ =	shalt  }
0x77: {  	_ =	shalt  }
0x78: {  	_ =	shalt  }
0x79: {  	_ =	shalt  }
0x7a: {  	_ =	shalt  }
0x7b: {  	_ =	shalt  }
0x7c: {  	_ =	shalt  }
0x7d: {  	_ =	shalt  }
0x7e: {  	_ =	shalt  }
0x7f: {  	_ =	shalt  }
0x80: {  	_ =	shalt  }
0x81: {  	_ =	shalt  }
0x82: {  	_ =	shalt  }
0x83: {  	_ =	shalt  }
0x84: {  	_ =	shalt  }
0x85: {  	_ =	shalt  }
0x86: {  	_ =	shalt  }
0x87: {  	_ =	shalt  }
.Lfunc_end0:
.L_simem_size_0:
called_computation_lowered:
.L_overlay_start_0:
0x88: {  	s2 =	sld [smem:$0x3FD9]  }
0x89: {  	s3 =	sld [smem:$0x3FFE];
	_ =	sdelay $0x1  }
0x8a: {  	s1 =	srdreg.scid  }
0x8b: {  	s0 =	sand.u32 $0x1, s1  }
0x8c: {  	s17 =	sshll.u32 s0, $0xA;
	s2 =	sadd.s32 s3, s2  }
0x8d: {  	s2 =	sadd.s32 s2, s17  }
0x8e: {  	[smem:$0x3FB3] =	sst s2  }
0x8f: {  	_ = 	snop  }
0x90: {  	s2 =	sld [smem:$0x3FD0];
	(tm) =	ssettm $0x1  }
0x91: {  	s18 =	sld [smem:$0x3FFB];
	_ =	sdelay $0x3  }
0x92: {  	_ =	strace s18  }
0x93: {  	s3 =	sld [smem:$0x3FFC];
	_ =	sdelay $0x3  }
0x94: {  	_ =	strace s3  }
0x95: {  	s3 =	sld [smem:$0x3FFD];
	_ =	sdelay $0x3  }
0x96: {  	_ =	strace s3  }
0x97: {  	_ =	strace $0x8FFFFFFF  }
0x98: {  	s19 =	sld [smem:$0x3FDB];
	_ =	sdelay $0x1  }
0x99: {  	s4 =	simm.s32 $_scs_section_size  }
0x9a: {  	s5 =	simm.s32 $_size__tile_overlayer_lowered;
	s6 =	simm.s32 $_tile_overlayer_lowered  }
0x9b: {  	s22 =	simm.s32 $0x1BFF;
	s21 =	sshll.u32 s6, $0x1;
	s3 =	sadd.s32 s4, s19  }
0x9c: {  	s7 =	simm.s32 $0x0;
	s20 =	sshll.u32 s5, $0x1;
	s5 =	sadd.s32 s21, s3  }
0x9d: {  	[timem:s7], [sflag:s22] =	dma.local [hbm:s5], s20  }
0x9e: {  	_ =	swait.ge [sflag:s22], s20  }
0x9f: {  	s4 =	ssub.s32 $0x0, s20;
	[sflag:s22] =	ssyncset.done $0x0  }
0xa0: {  	[sflag:s22] =	ssyncadd.s32 s4;
	_ =	sdelay $0x1  }
0xa1: {  	s23 =	simm.s32 $0x1B8B  }
0xa2: {  	_ =	swait.ge [sflag:s23], $0x1  }
0xa3: {  	[sflag:s23] =	ssyncset.done $0x0  }
0xa4: {  	s25 =	simm.s32 $0x1B8E;
	s24 =	sld [smem:$0x3FFE];
	[sflag:s23] =	ssyncadd.s32 $0xFFFFFFFF  }
0xa5: {  	s26 =	simm.s32 $execute0_lowered;
	[smem:$0x3FD2] =	sst s25  }
0xa6: {  	s5 =	sshll.u32 s26, $0x1;
	_ =	strace $0x80000046;
	[dreg:$0x1] =	wrdreg $0xFFFFFFFF  }
0xa7: {  	s28 =	simm.s32 $_size_execute0_lowered;
	s3 =	sadd.s32 s3, s5;
	[dreg:$0x0] =	wrdreg $0x0  }
0xa8: {  	s5 =	sshll.u32 s28, $0x1;
	[dreg:$0x2] =	wrdreg s3  }
0xa9: {  	[dreg:$0x3] =	wrdreg s5  }
0xaa: {  	[dreg:$0x4] =	wrdreg $0xC0  }
0xab: {  	_ =	task [dreg:s7], $0x5FFFF  }
0xac: {  	[dreg:$0x1] =	wrdreg $0xFFFFFFFF  }
0xad: {  	[dreg:$0x0] =	wrdreg $0x60  }
0xae: {  	[dreg:$0x2] =	wrdreg s24  }
0xaf: {  	[dreg:$0x3] =	wrdreg s2  }
0xb0: {  	[dreg:$0x4] =	wrdreg $0x9  }
0xb1: {  	_ =	task.clear_ibuf [dreg:s7], $0x5FFFF;
	_ =	strace $0x90000046  }
0xb2: {  	s29 =	simm.s32 $0x9;
	_ =	strace $0x80000048  }
0xb3: {  	_ =	swait.ge [sflag:s29], $0x1  }
0xb4: {  	[sflag:s29] =	ssyncadd.s32 $0xFFFFFFFF  }
0xb5: {  	_ =	strace $0x90000048  }
0xb6: {  	_ =	sfence  }
0xb7: {  	s30 =	sld [smem:$0x0];
	_ =	sdelay $0x2  }
0xb8: {  	s31 =	sshll.u32 s1, $0xD;
	s1 =	sshrl.u32 s1, $0x2  }
0xb9: {  	s3 =	sand.u32 $0x4000, s31;
	s1 =	sadd.s32 s1, s30  }
0xba: {  	s0 =	sor.u32 s3, s0;
	s1 =	sshll.u32 s1, $0x11  }
0xbb: {  	s0 =	sor.u32 s1, s0  }
0xbc: {  	s0 =	sadd.s32 $0x8F2B, s0  }
0xbd: {  	[sflag:s0] =	ssyncadd.remote.s32 $0x1  }
0xbe: {  	_ =	sfence.sel $0xFFFF  }
0xbf: {  	[dreg:$0x0] =	wrdreg $0xFFFFFFFF;
	(pc) =	sbr.abs _section_cstart, $3  }
0xc0: {  	[dreg:$0x1] =	wrdreg $0xFFFFFFFF  }
0xc1: {  	_ =	task.clear_ibuf [dreg:s7], $0x2FFFF;
	_ =	strace $0x9FFFFFFF  }
0xc2: {  	(tm) =	ssettm $0x7FFFFFFF  }
0xc3: {  	_ =	shalt  }
tec
execute0_lowered:
.L_overlay_start_1:
0x0: {  	(tag) =	ssettag $0x1  }
0x1: {  	s0 =	srdreg.scid;
	s2 =	rddreg [dreg:$0x0]  }
0x2: {  	s4 =	stileid.u32;
	s12 =	rddreg [dreg:$0x1];
	s3 =	simm.s32 $0x1  }
0x3: {  	s5 =	simm.s32 $0x0;
	s17 =	simm.s32 $0x5000;
	s18 =	simm.s32 $0x5800  }
0x4: {  	s19 =	simm.s32 $0x6000;
	s20 =	simm.s32 $0x6800;
	s21 =	simm.s32 $0x7000  }
0x5: {  	s22 =	simm.s32 $0x7800;
	s23 =	simm.s32 $0x8000;
	s28 =	simm.s32 $0xA000  }
0x6: {  	s29 =	simm.s32 $0xA800;
	s0 =	sand.u32 $0x1, s0;
	s1 =	sshll.u32 s4, $0x1  }
0x7: {  	s30 =	simm.s32 $0xB000;
	s31 =	simm.s32 $0xB800;
	s1 =	sor.u32 s0, s1  }
0x8: {  	[smem:$0x7FF] =	sst s5;
	p1 =	seq.s32 s0, $0x1;
	p0 =	seq.s32 s1, $0x0  }
0x9: {  	s5 =	sadd.s32 $0x42A00, s2;
	s6 =	sadd.s32 $0x2600, s2;
	p0 =	por !p0, !p1  }
0xa: {  	s7 =	sadd.s32 $0x2200, s2;
	s9 =	ssub.s32 $0x2, s0;
	p0 =	por !p0, !p0  }
0xb: {  	_ =	strace $0x80000047;
	s24 =	sshrl.u32 s9, $0x1;
	s3 =	simm.s32 @!p0 $0x0  }
0xc: {  	p0 =	seq.s32 s0, $0x0;
	s0 =	simm.s32 $0x2;
	s3 =	ssub.s32 s4, s3  }
0xd: {  	s4 =	sadd.s32 $0x2A00, s2;
	s2 =	ssub.s32 s9, s24;
	s8 =	smul.u32 $0x51400, s3  }
.Ltmp0:
0xe: {  	s9 =	sshll.u32 s1, $0x8;
	s24 =	simm.s32 $0x8800;
	(pc) =	sbr.rel .LBB2_1-.Ltmp0, $4  }
0xf: {  	s1 =	simm.s32 $0xC100;
	s26 =	smax.u32 s2, $0x1;
	s10 =	sadd.s32 $0x50000, s8  }
0x10: {  	v2 =	vlaneseq.u32;
	[dreg:$0x4] =	wrdreg s26;
	s26 =	simm.s32 $0x9800;
	s11 =	sshrl.u32 s10, $0x3  }
0x11: {  	vm0 =	vmmov $0xffff;
	v3 =	vimm.f32 $0.0e+00;
	v1 =	vshrl.u32 v2, $0x3;
	s8 =	simm.s32 $0x1;
	s10 =	sshll.u32 s3, $0x3;
	s25 =	sadd.s32 s12, s11  }
0x12: {  	v0 =	vand.u32 $0x7, v2;
	v2 =	vor.u32 $0x8, v2;
	v1 =	vmul.u32 $0x8, v1;
	s11 =	simm.s32 $0x0;
	[dreg:$0x3] =	wrdreg s25;
	s25 =	simm.s32 $0x9000  }
.LBB2_9:
0x13: {  	s11 =	sadd.s32 $0x1, s11;
	s2 =	rddreg [dreg:$0x4]  }
0x14: {  	p1 =	sne.s32 s11, s2  }
.Ltmp1:
0x15: {  	_ = 	snop;
	(pc) =	sbr.rel @!p1 .LBB2_10-.Ltmp1, $1  }
0x16: {  	_ =	sdelay $0x3  }
.LBB2_1:
0x17: {  	[dreg:$0x5] =	wrdreg s11;
	s12 =	simm.s32 $0x0  }
.LBB2_2:
0x18: {  	s2 =	sshll.u32 s12, $0x6  }
0x19: {  	s11 =	sadd.s32 s9, s2  }
0x1a: {  	s2 =	sshll.u32 s11, $0x5  }
0x1b: {  	s15 =	sshrl.u32 s11, $0x3;
	s3 =	sadd.s32 s4, s2;
	s2 =	simm.s32 $0x0  }
0x1c: {  	[tilespmem:s2], [sflag:$0x1] =	stream.linear.gather [hbm4b:s3+s2], $0x4000, $0x38;
	[tilespmem:$0x17500] =	vst v63  }
0x1d: {  	s14 =	simm.s32 $0xC000;
	s13 =	sadd.s32 s6, s15  }
0x1e: {  	[tilespmem:s14], [sflag:$0x1] =	stream.linear.gather [hbm4b:s13+s2], $0x40, $0x38;
	[tilespmem:$0x17500] =	vst v63  }
0x1f: {  	s16 =	simm.s32 $0xC080;
	s3 =	sadd.s32 s7, s15  }
0x20: {  	[tilespmem:s16], [sflag:$0x1] =	stream.linear.gather [hbm4b:s3+s2], $0x40, $0x38;
	[tilespmem:$0x17500] =	vst v63  }
0x21: {  	_ =	swait.ge [sflag:s8], $0x4000  }
0x22: {  	[sflag:s8] =	ssyncset.done $0x0  }
0x23: {  	[sflag:s8] =	ssyncadd.s32 $0xFFFFC000  }
0x24: {  	_ =	swait.ge [sflag:s8], $0x40  }
0x25: {  	[sflag:s8] =	ssyncset.done $0x0  }
0x26: {  	[sflag:s8] =	ssyncadd.s32 $0xFFFFFFC0  }
0x27: {  	_ =	swait.ge [sflag:s8], $0x40  }
0x28: {  	[sflag:s8] =	ssyncset.done $0x0  }
0x29: {  	[sflag:s8] =	ssyncadd.s32 $0xFFFFFFC0  }
0x2a: {  	v4 =	vld [tilespmem:$0xC000];
	_ =	sdelay $0x4  }
0x2b: {  	v5 =	vshll.u32 v4, $0x1  }
0x2c: {  	v4 =	vand.u32 $0x7, v4;
	v5 =	vand.u32 $0xFFFFFFF0, v5  }
0x2d: {  	v4 =	vor.u32 v4, v5  }
0x2e: {  	v5 =	vperm.xlane v4, v0;
	_ =	sdelay $0x1  }
0x2f: {  	v4 =	vperm.xlane v4, v2;
	v5 =	vadd.s32 v1, v5;
	_ =	sdelay $0x1  }
0x30: {  	v4 =	vadd.s32 v1, v4;
	_ =	sdelay $0x1  }
0x31: {  	s13 =	simm.s32 $0x4000  }
0x32: {  	[tilespmem:s13], [sflag:$0x1] =	stream.indirect_vreg.gather [hbm4b:s5+s2], $0x80, v5, vm0, $0xb8;
	[tilespmem:$0x17500] =	vst v63  }
0x33: {  	s14 =	simm.s32 $0x4800  }
0x34: {  	[tilespmem:s14], [sflag:$0x1] =	stream.indirect_vreg.gather [hbm4b:s5+s2], $0x80, v4, vm0, $0xb8;
	[tilespmem:$0x17500] =	vst v63  }
0x35: {  	v4 =	vld [tilespmem:$0xC010];
	_ =	sdelay $0x4  }
0x36: {  	v5 =	vshll.u32 v4, $0x1  }
0x37: {  	v4 =	vand.u32 $0x7, v4;
	v5 =	vand.u32 $0xFFFFFFF0, v5  }
0x38: {  	v4 =	vor.u32 v4, v5  }
0x39: {  	v5 =	vperm.xlane v4, v0;
	_ =	sdelay $0x1  }
0x3a: {  	v4 =	vperm.xlane v4, v2;
	v5 =	vadd.s32 v1, v5;
	_ =	sdelay $0x1  }
0x3b: {  	v4 =	vadd.s32 v1, v4;
	_ =	sdelay $0x2  }
0x3c: {  	[tilespmem:s17], [sflag:$0x1] =	stream.indirect_vreg.gather [hbm4b:s5+s2], $0x80, v5, vm0, $0xb8;
	[tilespmem:$0x17500] =	vst v63  }
0x3d: {  	_ = 	snop  }
0x3e: {  	[tilespmem:s18], [sflag:$0x1] =	stream.indirect_vreg.gather [hbm4b:s5+s2], $0x80, v4, vm0, $0xb8;
	[tilespmem:$0x17500] =	vst v63  }
0x3f: {  	v4 =	vld [tilespmem:$0xC020];
	_ =	sdelay $0x4  }
0x40: {  	v5 =	vshll.u32 v4, $0x1  }
0x41: {  	v4 =	vand.u32 $0x7, v4;
	v5 =	vand.u32 $0xFFFFFFF0, v5  }
0x42: {  	v4 =	vor.u32 v4, v5  }
0x43: {  	v5 =	vperm.xlane v4, v0;
	_ =	sdelay $0x1  }
0x44: {  	v4 =	vperm.xlane v4, v2;
	v5 =	vadd.s32 v1, v5;
	_ =	sdelay $0x1  }
0x45: {  	v4 =	vadd.s32 v1, v4;
	_ =	sdelay $0x2  }
0x46: {  	[tilespmem:s19], [sflag:$0x1] =	stream.indirect_vreg.gather [hbm4b:s5+s2], $0x80, v5, vm0, $0xb8;
	[tilespmem:$0x17500] =	vst v63  }
0x47: {  	_ = 	snop  }
0x48: {  	[tilespmem:s20], [sflag:$0x1] =	stream.indirect_vreg.gather [hbm4b:s5+s2], $0x80, v4, vm0, $0xb8;
	[tilespmem:$0x17500] =	vst v63  }
0x49: {  	v4 =	vld [tilespmem:$0xC030];
	_ =	sdelay $0x4  }
0x4a: {  	v5 =	vshll.u32 v4, $0x1  }
0x4b: {  	v4 =	vand.u32 $0x7, v4;
	v5 =	vand.u32 $0xFFFFFFF0, v5  }
0x4c: {  	v4 =	vor.u32 v4, v5  }
0x4d: {  	v5 =	vperm.xlane v4, v0;
	_ =	sdelay $0x1  }
0x4e: {  	v4 =	vperm.xlane v4, v2;
	v5 =	vadd.s32 v1, v5;
	_ =	sdelay $0x1  }
0x4f: {  	v4 =	vadd.s32 v1, v4;
	_ =	sdelay $0x2  }
0x50: {  	[tilespmem:s21], [sflag:$0x1] =	stream.indirect_vreg.gather [hbm4b:s5+s2], $0x80, v5, vm0, $0xb8;
	[tilespmem:$0x17500] =	vst v63  }
0x51: {  	_ = 	snop  }
0x52: {  	[tilespmem:s22], [sflag:$0x1] =	stream.indirect_vreg.gather [hbm4b:s5+s2], $0x80, v4, vm0, $0xb8;
	[tilespmem:$0x17500] =	vst v63  }
0x53: {  	v4 =	vld [tilespmem:$0xC080];
	_ =	sdelay $0x4  }
0x54: {  	v5 =	vshll.u32 v4, $0x1  }
0x55: {  	v4 =	vand.u32 $0x7, v4;
	v5 =	vand.u32 $0xFFFFFFF0, v5  }
0x56: {  	v4 =	vor.u32 v4, v5  }
0x57: {  	v5 =	vperm.xlane v4, v0;
	_ =	sdelay $0x1  }
0x58: {  	v4 =	vperm.xlane v4, v2;
	v5 =	vadd.s32 v1, v5;
	_ =	sdelay $0x1  }
0x59: {  	v4 =	vadd.s32 v1, v4;
	_ =	sdelay $0x2  }
0x5a: {  	[tilespmem:s23], [sflag:$0x1] =	stream.indirect_vreg.gather [hbm4b:s5+s2], $0x80, v5, vm0, $0xb8;
	[tilespmem:$0x17500] =	vst v63  }
0x5b: {  	_ = 	snop  }
0x5c: {  	[tilespmem:s24], [sflag:$0x1] =	stream.indirect_vreg.gather [hbm4b:s5+s2], $0x80, v4, vm0, $0xb8;
	[tilespmem:$0x17500] =	vst v63  }
0x5d: {  	v4 =	vld [tilespmem:$0xC090];
	_ =	sdelay $0x4  }
0x5e: {  	v5 =	vshll.u32 v4, $0x1  }
0x5f: {  	v4 =	vand.u32 $0x7, v4;
	v5 =	vand.u32 $0xFFFFFFF0, v5  }
0x60: {  	v4 =	vor.u32 v4, v5  }
0x61: {  	v5 =	vperm.xlane v4, v0;
	_ =	sdelay $0x1  }
0x62: {  	v4 =	vperm.xlane v4, v2;
	v5 =	vadd.s32 v1, v5;
	_ =	sdelay $0x1  }
0x63: {  	v4 =	vadd.s32 v1, v4;
	_ =	sdelay $0x2  }
0x64: {  	[tilespmem:s25], [sflag:$0x1] =	stream.indirect_vreg.gather [hbm4b:s5+s2], $0x80, v5, vm0, $0xb8;
	[tilespmem:$0x17500] =	vst v63  }
0x65: {  	_ = 	snop  }
0x66: {  	[tilespmem:s26], [sflag:$0x1] =	stream.indirect_vreg.gather [hbm4b:s5+s2], $0x80, v4, vm0, $0xb8;
	[tilespmem:$0x17500] =	vst v63  }
0x67: {  	v4 =	vld [tilespmem:$0xC0A0];
	_ =	sdelay $0x4  }
0x68: {  	v5 =	vshll.u32 v4, $0x1  }
0x69: {  	v4 =	vand.u32 $0x7, v4;
	v5 =	vand.u32 $0xFFFFFFF0, v5  }
0x6a: {  	v4 =	vor.u32 v4, v5  }
0x6b: {  	v5 =	vperm.xlane v4, v0;
	_ =	sdelay $0x1  }
0x6c: {  	v4 =	vperm.xlane v4, v2;
	v5 =	vadd.s32 v1, v5;
	_ =	sdelay $0x1  }
0x6d: {  	v4 =	vadd.s32 v1, v4;
	_ =	sdelay $0x2  }
0x6e: {  	[tilespmem:s28], [sflag:$0x1] =	stream.indirect_vreg.gather [hbm4b:s5+s2], $0x80, v5, vm0, $0xb8;
	[tilespmem:$0x17500] =	vst v63  }
0x6f: {  	_ = 	snop  }
0x70: {  	[tilespmem:s29], [sflag:$0x1] =	stream.indirect_vreg.gather [hbm4b:s5+s2], $0x80, v4, vm0, $0xb8;
	[tilespmem:$0x17500] =	vst v63  }
0x71: {  	v4 =	vld [tilespmem:$0xC0B0];
	_ =	sdelay $0x4  }
0x72: {  	v5 =	vshll.u32 v4, $0x1  }
0x73: {  	v4 =	vand.u32 $0x7, v4;
	v5 =	vand.u32 $0xFFFFFFF0, v5  }
0x74: {  	v4 =	vor.u32 v4, v5  }
0x75: {  	v5 =	vperm.xlane v4, v0;
	_ =	sdelay $0x1  }
0x76: {  	v4 =	vperm.xlane v4, v2;
	v5 =	vadd.s32 v1, v5;
	_ =	sdelay $0x1  }
0x77: {  	v4 =	vadd.s32 v1, v4;
	_ =	sdelay $0x2  }
0x78: {  	[tilespmem:s30], [sflag:$0x1] =	stream.indirect_vreg.gather [hbm4b:s5+s2], $0x80, v5, vm0, $0xb8;
	[tilespmem:$0x17500] =	vst v63  }
0x79: {  	_ = 	snop  }
0x7a: {  	[tilespmem:s31], [sflag:$0x1] =	stream.indirect_vreg.gather [hbm4b:s5+s2], $0x80, v4, vm0, $0xb8;
	[tilespmem:$0x17500] =	vst v63  }
0x7b: {  	_ =	swait.ge [sflag:s8], $0x4000  }
0x7c: {  	[sflag:s8] =	ssyncset.done $0x0  }
0x7d: {  	[sflag:s8] =	ssyncadd.s32 $0xFFFFC000  }
0x7e: {  	_ =	swait.ge [sflag:s8], $0x4000  }
0x7f: {  	s15 =	sand.u32 $0x3800, s2;
	s16 =	sand.u32 $0x380, s2;
	[sflag:s8] =	ssyncset.done $0x0  }
0x80: {  	s3 =	sor.u32 s16, s15;
	[sflag:s8] =	ssyncadd.s32 $0xFFFFC000  }
0x81: {  	v4 =	vld [tilespmem:s3+$0x0]  }
0x82: {  	v5 =	vld [tilespmem:s3+$0x4000];
	_ =	sdelay $0x1  }
0x83: {  	v6 =	vld [tilespmem:s3+$0x8000];
	_ =	sdelay $0x2  }
0x84: {  	v4 =	vadd.f32 v5, v4;
	_ =	sdelay $0x1  }
0x85: {  	v4 =	vadd.f32 v6, v4  }
0x86: {  	s13 =	simm.s32 $0xC210  }
0x87: {  	[tilespmem:s13+$0xFFFFFEF0] =	vst v4  }
0x88: {  	v4 =	vld [tilespmem:s3+$0x10]  }
0x89: {  	v5 =	vld [tilespmem:s3+$0x4010];
	_ =	sdelay $0x1  }
0x8a: {  	v6 =	vld [tilespmem:s3+$0x8010];
	_ =	sdelay $0x2  }
0x8b: {  	v4 =	vadd.f32 v5, v4;
	_ =	sdelay $0x1  }
0x8c: {  	v4 =	vadd.f32 v6, v4;
	_ =	sdelay $0x1  }
0x8d: {  	[tilespmem:s13+$0xFFFFFF00] =	vst v4  }
0x8e: {  	v4 =	vld [tilespmem:s3+$0x20]  }
0x8f: {  	v5 =	vld [tilespmem:s3+$0x4020];
	_ =	sdelay $0x1  }
0x90: {  	v6 =	vld [tilespmem:s3+$0x8020];
	_ =	sdelay $0x2  }
0x91: {  	v4 =	vadd.f32 v5, v4;
	_ =	sdelay $0x1  }
0x92: {  	v4 =	vadd.f32 v6, v4;
	_ =	sdelay $0x1  }
0x93: {  	[tilespmem:s13+$0xFFFFFF70] =	vst v4  }
0x94: {  	v4 =	vld [tilespmem:s3+$0x30]  }
0x95: {  	v5 =	vld [tilespmem:s3+$0x4030];
	_ =	sdelay $0x1  }
0x96: {  	v6 =	vld [tilespmem:s3+$0x8030];
	_ =	sdelay $0x2  }
0x97: {  	v4 =	vadd.f32 v5, v4;
	_ =	sdelay $0x1  }
0x98: {  	v4 =	vadd.f32 v6, v4;
	_ =	sdelay $0x1  }
0x99: {  	[tilespmem:s13+$0xFFFFFF80] =	vst v4  }
0x9a: {  	v4 =	vld [tilespmem:s3+$0x40]  }
0x9b: {  	v5 =	vld [tilespmem:s3+$0x4040];
	_ =	sdelay $0x1  }
0x9c: {  	v6 =	vld [tilespmem:s3+$0x8040];
	_ =	sdelay $0x2  }
0x9d: {  	v4 =	vadd.f32 v5, v4;
	_ =	sdelay $0x1  }
0x9e: {  	v4 =	vadd.f32 v6, v4;
	_ =	sdelay $0x1  }
0x9f: {  	[tilespmem:s13+$0xFFFFFFF0] =	vst v4  }
0xa0: {  	v4 =	vld [tilespmem:s3+$0x50]  }
0xa1: {  	v5 =	vld [tilespmem:s3+$0x4050];
	_ =	sdelay $0x1  }
0xa2: {  	v6 =	vld [tilespmem:s3+$0x8050];
	_ =	sdelay $0x2  }
0xa3: {  	v4 =	vadd.f32 v5, v4;
	_ =	sdelay $0x1  }
0xa4: {  	v4 =	vadd.f32 v6, v4;
	_ =	sdelay $0x1  }
0xa5: {  	[tilespmem:s13+$0x0] =	vst v4  }
0xa6: {  	v4 =	vld [tilespmem:s3+$0x4060]  }
0xa7: {  	v5 =	vld [tilespmem:s3+$0x60];
	_ =	sdelay $0x1  }
0xa8: {  	v6 =	vld [tilespmem:s3+$0x8060];
	_ =	sdelay $0x2  }
0xa9: {  	v4 =	vadd.f32 v4, v5;
	_ =	sdelay $0x1  }
0xaa: {  	v4 =	vadd.f32 v6, v4;
	_ =	sdelay $0x1  }
0xab: {  	[tilespmem:s13+$0x70] =	vst v4  }
0xac: {  	v4 =	vld [tilespmem:s3+$0x70]  }
0xad: {  	v5 =	vld [tilespmem:s3+$0x4070];
	_ =	sdelay $0x1  }
0xae: {  	v6 =	vld [tilespmem:s3+$0x8070];
	_ =	sdelay $0x2  }
0xaf: {  	v4 =	vadd.f32 v5, v4;
	_ =	sdelay $0x1  }
0xb0: {  	v4 =	vadd.f32 v6, v4;
	_ =	sdelay $0x1  }
0xb1: {  	[tilespmem:s13+$0x80] =	vst v4  }
0xb2: {  	v4 =	vld [tilespmem:s3+$0x400]  }
0xb3: {  	v5 =	vld [tilespmem:s3+$0x4400];
	_ =	sdelay $0x1  }
0xb4: {  	v6 =	vld [tilespmem:s3+$0x8400];
	_ =	sdelay $0x2  }
0xb5: {  	v4 =	vadd.f32 v5, v4;
	_ =	sdelay $0x1  }
0xb6: {  	s15 =	simm.s32 $0x100;
	s14 =	simm.s32 $0xC210;
	v4 =	vadd.f32 v6, v4  }
.LBB2_3:
0xb7: {  	p1 =	sne.s32 s15, $0x3F00;
	s2 =	sadd.s32 $0x80, s2;
	s13 =	sadd.s32 $0x280, s13  }
0xb8: {  	s16 =	smov.u32 s15;
	s15 =	sadd.s32 $0x100, s15;
	[tilespmem:s14+$0xF0] =	vst v4  }
0xb9: {  	v4 =	vld [tilespmem:s3+$0x410]  }
0xba: {  	v5 =	vld [tilespmem:s3+$0x4410]  }
0xbb: {  	v6 =	vld [tilespmem:s3+$0x8410];
	_ =	sdelay $0x3  }
0xbc: {  	v4 =	vadd.f32 v5, v4  }
0xbd: {  	s3 =	sand.u32 $0x3800, s16;
	s16 =	sand.u32 $0x380, s2  }
0xbe: {  	s3 =	sor.u32 s16, s3;
	v4 =	vadd.f32 v6, v4;
	_ =	sdelay $0x1  }
0xbf: {  	[tilespmem:s14+$0x100] =	vst v4;
	s14 =	smov.u32 s13  }
0xc0: {  	v4 =	vld [tilespmem:s3+$0x0]  }
0xc1: {  	v5 =	vld [tilespmem:s3+$0x4000];
	_ =	sdelay $0x1  }
0xc2: {  	v6 =	vld [tilespmem:s3+$0x8000];
	_ =	sdelay $0x2  }
0xc3: {  	v4 =	vadd.f32 v5, v4;
	_ =	sdelay $0x1  }
0xc4: {  	v4 =	vadd.f32 v6, v4;
	_ =	sdelay $0x1  }
0xc5: {  	[tilespmem:s13+$0xFFFFFEF0] =	vst v4  }
0xc6: {  	v4 =	vld [tilespmem:s3+$0x10]  }
0xc7: {  	v5 =	vld [tilespmem:s3+$0x4010];
	_ =	sdelay $0x1  }
0xc8: {  	v6 =	vld [tilespmem:s3+$0x8010];
	_ =	sdelay $0x2  }
0xc9: {  	v4 =	vadd.f32 v5, v4;
	_ =	sdelay $0x1  }
0xca: {  	v4 =	vadd.f32 v6, v4;
	_ =	sdelay $0x1  }
0xcb: {  	[tilespmem:s13+$0xFFFFFF00] =	vst v4  }
0xcc: {  	v4 =	vld [tilespmem:s3+$0x20]  }
0xcd: {  	v5 =	vld [tilespmem:s3+$0x4020];
	_ =	sdelay $0x1  }
0xce: {  	v6 =	vld [tilespmem:s3+$0x8020];
	_ =	sdelay $0x2  }
0xcf: {  	v4 =	vadd.f32 v5, v4;
	_ =	sdelay $0x1  }
0xd0: {  	v4 =	vadd.f32 v6, v4;
	_ =	sdelay $0x1  }
0xd1: {  	[tilespmem:s13+$0xFFFFFF70] =	vst v4  }
0xd2: {  	v4 =	vld [tilespmem:s3+$0x30]  }
0xd3: {  	v5 =	vld [tilespmem:s3+$0x4030]  }
0xd4: {  	v6 =	vld [tilespmem:s3+$0x8030];
	_ =	sdelay $0x3  }
0xd5: {  	v4 =	vadd.f32 v5, v4;
	_ =	sdelay $0x1  }
0xd6: {  	v4 =	vadd.f32 v6, v4;
	_ =	sdelay $0x1  }
0xd7: {  	[tilespmem:s13+$0xFFFFFF80] =	vst v4  }
0xd8: {  	v4 =	vld [tilespmem:s3+$0x40]  }
0xd9: {  	v5 =	vld [tilespmem:s3+$0x4040]  }
0xda: {  	v6 =	vld [tilespmem:s3+$0x8040];
	_ =	sdelay $0x3  }
0xdb: {  	v4 =	vadd.f32 v5, v4;
	_ =	sdelay $0x1  }
0xdc: {  	v4 =	vadd.f32 v6, v4;
	_ =	sdelay $0x1  }
0xdd: {  	[tilespmem:s13+$0xFFFFFFF0] =	vst v4  }
0xde: {  	v4 =	vld [tilespmem:s3+$0x50]  }
0xdf: {  	v5 =	vld [tilespmem:s3+$0x4050]  }
0xe0: {  	v6 =	vld [tilespmem:s3+$0x8050];
	_ =	sdelay $0x3  }
0xe1: {  	v4 =	vadd.f32 v5, v4;
	_ =	sdelay $0x1  }
0xe2: {  	v4 =	vadd.f32 v6, v4;
	_ =	sdelay $0x1  }
0xe3: {  	[tilespmem:s13+$0x0] =	vst v4  }
0xe4: {  	v4 =	vld [tilespmem:s3+$0x4060]  }
0xe5: {  	v5 =	vld [tilespmem:s3+$0x60]  }
0xe6: {  	v6 =	vld [tilespmem:s3+$0x8060];
	_ =	sdelay $0x3  }
0xe7: {  	v4 =	vadd.f32 v4, v5;
	_ =	sdelay $0x1  }
0xe8: {  	v4 =	vadd.f32 v6, v4;
	_ =	sdelay $0x1  }
0xe9: {  	[tilespmem:s13+$0x70] =	vst v4  }
0xea: {  	v4 =	vld [tilespmem:s3+$0x70]  }
0xeb: {  	v5 =	vld [tilespmem:s3+$0x4070]  }
0xec: {  	v6 =	vld [tilespmem:s3+$0x8070];
	_ =	sdelay $0x3  }
0xed: {  	v4 =	vadd.f32 v5, v4;
	_ =	sdelay $0x1  }
0xee: {  	v4 =	vadd.f32 v6, v4;
	_ =	sdelay $0x1  }
0xef: {  	[tilespmem:s13+$0x80] =	vst v4  }
0xf0: {  	v4 =	vld [tilespmem:s3+$0x400]  }
0xf1: {  	v5 =	vld [tilespmem:s3+$0x4400]  }
0xf2: {  	v6 =	vld [tilespmem:s3+$0x8400];
	_ =	sdelay $0x1  }
.Ltmp2:
0xf3: {  	(pc) =	sbr.rel @p1 .LBB2_3-.Ltmp2, $3  }
0xf4: {  	_ = 	snop  }
0xf5: {  	v4 =	vadd.f32 v5, v4;
	_ =	sdelay $0x1  }
0xf6: {  	v4 =	vadd.f32 v6, v4  }
0xf7: {  	_ = 	snop  }
0xf8: {  	[tilespmem:s14+$0xF0] =	vst v4  }
0xf9: {  	v4 =	vld [tilespmem:s3+$0x410]  }
0xfa: {  	v5 =	vld [tilespmem:s3+$0x4410];
	_ =	sdelay $0x1  }
0xfb: {  	v6 =	vld [tilespmem:s3+$0x8410];
	_ =	sdelay $0x2  }
0xfc: {  	s2 =	sadd.s32 s10, s11;
	v4 =	vadd.f32 v5, v4  }
0xfd: {  	s2 =	smul.u32 $0x280, s2  }
0xfe: {  	s12 =	sadd.s32 $0x1, s12;
	v4 =	vadd.f32 v6, v4  }
0xff: {  	s15 =	rddreg [dreg:$0x1];
	p1 =	sne.s32 s12, $0x4;
	s2 =	sshrl.u32 s2, $0x3  }
.Ltmp3:
0x100: {  	s16 =	simm.s32 $0x0;
	s2 =	sadd.s32 s15, s2;
	[tilespmem:s14+$0x100] =	vst v4;
	(pc) =	sbr.rel @p1 .LBB2_2-.Ltmp3, $4  }
0x101: {  	[hbm4b:s2+s16] =	stream.linear.scatter [tilespmem:s1], [sflag:$0x2], $0xA000, $0x38;
	[tilespmem:$0x17500] =	vst v63  }
0x102: {  	_ =	swait.ge [sflag:s0], $0xA000  }
0x103: {  	[sflag:s0] =	ssyncset.done $0x0  }
0x104: {  	[sflag:s0] =	ssyncadd.s32 $0xFFFF6000  }
.Ltmp4:
0x105: {  	(pc) =	sbr.rel @p0 .LBB2_9-.Ltmp4, $2  }
0x106: {  	_ =	sdelay $0x2  }
0x107: {  	s3 =	simm.s32 $0x0;
	s11 =	rddreg [dreg:$0x5]  }
0x108: {  	s2 =	sshra.s32 s3, $0x2;
	s3 =	sadd.s32 $0x200, s3  }
.LBB2_7:
0x109: {  	p1 =	sne.s32 s3, $0x4E00;
	[tilespmem:s2+$0x16170] =	vst v3  }
0x10a: {  	[tilespmem:s2+$0x16100] =	vst v3  }
0x10b: {  	[tilespmem:s2+$0x16110] =	vst v3  }
.Ltmp5:
0x10c: {  	[tilespmem:s2+$0x16120] =	vst v3;
	(pc) =	sbr.rel @p1 .LBB2_7-.Ltmp5, $4  }
0x10d: {  	[tilespmem:s2+$0x16130] =	vst v3  }
0x10e: {  	[tilespmem:s2+$0x16140] =	vst v3  }
0x10f: {  	[tilespmem:s2+$0x16150] =	vst v3  }
0x110: {  	[tilespmem:s2+$0x16160] =	vst v3;
	s2 =	sshra.s32 s3, $0x2;
	s3 =	sadd.s32 $0x200, s3  }
0x111: {  	[tilespmem:s2+$0x16170] =	vst v3  }
0x112: {  	[tilespmem:s2+$0x16100] =	vst v3  }
0x113: {  	[tilespmem:s2+$0x16110] =	vst v3  }
0x114: {  	[tilespmem:s2+$0x16120] =	vst v3  }
0x115: {  	[tilespmem:s2+$0x16130] =	vst v3  }
0x116: {  	[tilespmem:s2+$0x16140] =	vst v3  }
0x117: {  	[tilespmem:s2+$0x16150] =	vst v3;
	s16 =	simm.s32 $0x0  }
.Ltmp6:
0x118: {  	[tilespmem:s2+$0x16160] =	vst v3;
	s3 =	rddreg [dreg:$0x3];
	s11 =	simm.s32 $0x16100;
	(pc) =	sbr.rel .LBB2_9-.Ltmp6, $4  }
0x119: {  	[hbm4b:s3+s16] =	stream.linear.scatter [tilespmem:s11], [sflag:$0x2], $0x1400, $0x38;
	[tilespmem:$0x17500] =	vst v63  }
0x11a: {  	_ =	swait.ge [sflag:s0], $0x1400  }
0x11b: {  	[sflag:s0] =	ssyncset.done $0x0  }
0x11c: {  	s11 =	rddreg [dreg:$0x5];
	[sflag:s0] =	ssyncadd.s32 $0xFFFFEC00  }
.LBB2_10:
0x11d: {  	_ =	sfence.sel $0x180000  }
0x11e: {  	[bflag:$0x0] =	sbarrier.arrive $0xFFFF  }
0x11f: {  	_ =	strace $0x90000047  }
0x120: {  	s0 =	stileid.u32;
	[bflag:$0x2] =	sbarrier.arrive $0xFFFF  }
0x121: {  	p0 =	sne.s32 s0, $0x0;
	s0 =	rddreg [dreg:$0x2]  }
0x122: {  	s0 =	sadd.s32 @!p0 $0x100000, s0  }
0x123: {  	[sflag:s0] =	ssyncadd.tile.s32 @!p0 $0x1;
	_ =	shalt  }
.Lfunc_end2:
_tile_overlayer_lowered:
.L_overlay_start_2:
0x124: {  	(tag) =	ssettag $0x2  }
0x125: {  	s0 =	rddreg [dreg:$0x0];
	s2 =	stileid.u32  }
0x126: {  	s1 =	rddreg [dreg:$0x1];
	p0 =	sne.s32 s2, $0x0  }
0x127: {  	s3 =	rddreg [dreg:$0x2];
	[bflag:$0x3] =	sbarrier.arrive $0xFFFF;
	s2 =	simm.s32 @!p0 $0x1C02  }
0x128: {  	[timem:s3], [sflag:s2] =	dma.local @!p0 [hbm:s0], s1  }
0x129: {  	s0 =	simm.s32 @!p0 $0x2  }
0x12a: {  	_ =	swait.ge @!p0 [sflag:s0], s1  }
0x12b: {  	s1 =	ssub.s32 @!p0 $0x0, s1;
	[sflag:s0] =	ssyncset.done @!p0 $0x0  }
0x12c: {  	[sflag:s0] =	ssyncadd.s32 @!p0 s1  }
0x12d: {  	[bflag:$0x3] =	sbarrier.arrive $0xFFFF  }
0x12e: {  	_ =	shalt  }

// kernel: kernel.9.cloned.1.call-start
scs
__scs_entry_jumppad:
0x0: {  	(pc) =	sbr.rel $0x88, $3  }
0x1: {  	(tag) =	ssettag $0x0;
	lr =	simm.s32 $0x1  }
0x2: {  	[smem:$0x3F8C] =	sst lr;
	_ =	strace $0xD0000000  }
0x3: {  	_ = 	snop  }
0x4: {  	_ = 	snop  }
0x5: {  	_ = 	snop  }
0x6: {  	_ = 	snop  }
0x7: {  	_ = 	snop  }
__scs_overlays_trampoline_lowered:
0x8: {  	[smem:$0x3F9B] =	sst s0  }
0x9: {  	[smem:$0x3F9C] =	sst s1  }
0xa: {  	[smem:$0x3F9D] =	sst s2  }
0xb: {  	[smem:$0x3F9E] =	sst s3  }
0xc: {  	[smem:$0x3F9F] =	sst s4  }
0xd: {  	[smem:$0x3FA0] =	sst s5  }
0xe: {  	[smem:$0x3FA1] =	sst s6  }
0xf: {  	[smem:$0x3FA2] =	sst s7  }
0x10: {  	[smem:$0x3FA3] =	sst s8  }
0x11: {  	[smem:$0x3FA4] =	sst s9;
	s0 =	simm.s32 @!p0 $0x0  }
0x12: {  	s1 =	sld [smem:$0x3F8A];
	s0 =	simm.s32 @p0 $0x1  }
0x13: {  	[smem:$0x3FA5] =	sst s0;
	s0 =	simm.s32 @!p1 $0x0  }
0x14: {  	s2 =	sld [smem:$0x3F89];
	s0 =	simm.s32 @p1 $0x1  }
0x15: {  	[smem:$0x3FA6] =	sst s0;
	s0 =	simm.s32 @!p2 $0x0  }
0x16: {  	s3 =	sld [smem:$0x3FDB];
	s0 =	simm.s32 @p2 $0x1  }
0x17: {  	s4 =	simm.s32 $0x1BF5;
	[smem:$0x3FA8] =	sst s0  }
0x18: {  	s0 =	sld [smem:$0x3F8B];
	_ =	swait.ge [sflag:s4], $0x0  }
0x19: {  	s7 =	sld [smem:$0x3F8C]  }
0x1a: {  	s8 =	sadd.s32 $0xFFFFE003, lr  }
0x1b: {  	s9 =	sadd.s32 $0xFFFFFEF7, lr;
	s5 =	simm.s32 $0xFFFFFFFF;
	p2 =	slt.u32 s8, $0xFFFFF086  }
0x1c: {  	p1 =	slt.u32 s9, $0xF7A;
	s5 =	simm.s32 @!p2 $0x0  }
0x1d: {  	s5 =	simm.s32 @p1 $0x1;
	p0 =	seq.s32 s7, s2  }
0x1e: {  	s7 =	smul.u32 @!p0 $0xF7A, s2;
	p2 =	seq.s32 @!p0 s5, $0x0  }
0x1f: {  	s9 =	smul.u32 $0xF7A, s1;
	s8 =	simm.s32 @!p0 $0x1BF5;
	p2 =	por !p2, p0  }
0x20: {  	[sflag:s8] =	ssyncset.s32 @!p0 $0xFFFFF086;
	s6 =	sadd.s32 @!p0 s3, s7;
	s7 =	simm.s32 @!p0 $0x108  }
0x21: {  	s3 =	sadd.s32 s3, s9;
	s6 =	sadd.s32 @!p0 $0x88, s6;
	s7 =	simm.s32 @p2 $0x1082  }
0x22: {  	[simem:s7], [sflag:s8] =	dma.local @!p0 [hbm:s6], $0xF7A  }
0x23: {  	s9 =	sor.u32 $0xD0000000, s2;
	s6 =	simm.s32 $0x108;
	_ =	swait.ge @!p0 [sflag:s8], $0x0  }
0x24: {  	s3 =	sadd.s32 $0x88, s3;
	s6 =	simm.s32 @!p1 $0x1082;
	[sflag:s4] =	ssyncset.s32 $0xFFFFF086  }
0x25: {  	[simem:s6], [sflag:s4] =	dma.local [hbm:s3], $0xF7A  }
0x26: {  	[smem:$0x3F8C] =	sst s1;
	(tag) =	ssettag s2;
	_ =	strace s9  }
0x27: {  	s1 =	sld [smem:$0x3F9C]  }
0x28: {  	s2 =	sld [smem:$0x3F9D]  }
0x29: {  	s4 =	sld [smem:$0x3F9F]  }
0x2a: {  	p0 =	seq.s32 s5, $0x0;
	s5 =	sld [smem:$0x3FA0]  }
0x2b: {  	s6 =	sld [smem:$0x3FA1]  }
0x2c: {  	s7 =	sld [smem:$0x3FA2]  }
0x2d: {  	s3 =	simm.s32 $0x108;
	s8 =	sld [smem:$0x3FA3]  }
0x2e: {  	s3 =	simm.s32 @!p0 $0x1082;
	s9 =	sld [smem:$0x3FA4]  }
0x2f: {  	lr =	sadd.s32 s0, s3;
	s0 =	sld [smem:$0x3F9B]  }
0x30: {  	s3 =	sld [smem:$0x3F9E]  }
0x31: {  	[smem:$0x3FA7] =	sst s10  }
0x32: {  	s10 =	sld [smem:$0x3FA5];
	_ =	sdelay $0x3  }
0x33: {  	p0 =	seq.s32 s10, $0x1;
	s10 =	sld [smem:$0x3FA7];
	_ =	sdelay $0x3  }
0x34: {  	[smem:$0x3FA7] =	sst s10  }
0x35: {  	s10 =	sld [smem:$0x3FA6];
	_ =	sdelay $0x3  }
0x36: {  	p1 =	seq.s32 s10, $0x1;
	s10 =	sld [smem:$0x3FA7];
	_ =	sdelay $0x3  }
0x37: {  	[smem:$0x3FA7] =	sst s10  }
0x38: {  	s10 =	sld [smem:$0x3FA8]  }
0x39: {  	_ = 	snop;
	(pc) =	sbr.ind lr, $3  }
0x3a: {  	_ = 	snop  }
0x3b: {  	_ = 	snop  }
0x3c: {  	p2 =	seq.s32 s10, $0x1;
	s10 =	sld [smem:$0x3FA7]  }
0x3d: {  	_ =	shalt  }
0x3e: {  	_ =	shalt  }
0x3f: {  	_ =	shalt  }
0x40: {  	_ =	shalt  }
0x41: {  	_ =	shalt  }
0x42: {  	_ =	shalt  }
0x43: {  	_ =	shalt  }
0x44: {  	_ =	shalt  }
0x45: {  	_ =	shalt  }
0x46: {  	_ =	shalt  }
0x47: {  	_ =	shalt  }
0x48: {  	_ =	shalt  }
0x49: {  	_ =	shalt  }
0x4a: {  	_ =	shalt  }
0x4b: {  	_ =	shalt  }
0x4c: {  	_ =	shalt  }
0x4d: {  	_ =	shalt  }
0x4e: {  	_ =	shalt  }
0x4f: {  	_ =	shalt  }
0x50: {  	_ =	shalt  }
0x51: {  	_ =	shalt  }
0x52: {  	_ =	shalt  }
0x53: {  	_ =	shalt  }
0x54: {  	_ =	shalt  }
0x55: {  	_ =	shalt  }
0x56: {  	_ =	shalt  }
0x57: {  	_ =	shalt  }
0x58: {  	_ =	shalt  }
0x59: {  	_ =	shalt  }
0x5a: {  	_ =	shalt  }
0x5b: {  	_ =	shalt  }
0x5c: {  	_ =	shalt  }
0x5d: {  	_ =	shalt  }
0x5e: {  	_ =	shalt  }
0x5f: {  	_ =	shalt  }
0x60: {  	_ =	shalt  }
0x61: {  	_ =	shalt  }
0x62: {  	_ =	shalt  }
0x63: {  	_ =	shalt  }
0x64: {  	_ =	shalt  }
0x65: {  	_ =	shalt  }
0x66: {  	_ =	shalt  }
0x67: {  	_ =	shalt  }
0x68: {  	_ =	shalt  }
0x69: {  	_ =	shalt  }
0x6a: {  	_ =	shalt  }
0x6b: {  	_ =	shalt  }
0x6c: {  	_ =	shalt  }
0x6d: {  	_ =	shalt  }
0x6e: {  	_ =	shalt  }
0x6f: {  	_ =	shalt  }
0x70: {  	_ =	shalt  }
0x71: {  	_ =	shalt  }
0x72: {  	_ =	shalt  }
0x73: {  	_ =	shalt  }
0x74: {  	_ =	shalt  }
0x75: {  	_ =	shalt  }
0x76: {  	_ =	shalt  }
0x77: {  	_ =	shalt  }
0x78: {  	_ =	shalt  }
0x79: {  	_ =	shalt  }
0x7a: {  	_ =	shalt  }
0x7b: {  	_ =	shalt  }
0x7c: {  	_ =	shalt  }
0x7d: {  	_ =	shalt  }
0x7e: {  	_ =	shalt  }
0x7f: {  	_ =	shalt  }
0x80: {  	_ =	shalt  }
0x81: {  	_ =	shalt  }
0x82: {  	_ =	shalt  }
0x83: {  	_ =	shalt  }
0x84: {  	_ =	shalt  }
0x85: {  	_ =	shalt  }
0x86: {  	_ =	shalt  }
0x87: {  	_ =	shalt  }
.Lfunc_end0:
.L_simem_size_0:
called_computation.1_lowered:
.L_overlay_start_0:
0x88: {  	s2 =	sld [smem:$0x3FD9]  }
0x89: {  	s3 =	sld [smem:$0x3FFE];
	_ =	sdelay $0x1  }
0x8a: {  	s1 =	srdreg.scid  }
0x8b: {  	s0 =	sand.u32 $0x1, s1  }
0x8c: {  	s17 =	sshll.u32 s0, $0xA;
	s2 =	sadd.s32 s3, s2  }
0x8d: {  	s2 =	sadd.s32 s2, s17  }
0x8e: {  	[smem:$0x3FB3] =	sst s2  }
0x8f: {  	_ = 	snop  }
0x90: {  	s2 =	sld [smem:$0x3FC8]  }
0x91: {  	s18 =	sld [smem:$0x3FD0];
	(tm) =	ssettm $0x1  }
0x92: {  	s4 =	sld [smem:$0x3FFB];
	_ =	sdelay $0x3  }
0x93: {  	_ =	strace s4  }
0x94: {  	s4 =	sld [smem:$0x3FFC];
	_ =	sdelay $0x3  }
0x95: {  	_ =	strace s4  }
0x96: {  	s4 =	sld [smem:$0x3FFD];
	_ =	sdelay $0x3  }
0x97: {  	_ =	strace s4  }
0x98: {  	_ =	strace $0x8FFFFFFF  }
0x99: {  	s19 =	sld [smem:$0x3FDB];
	_ =	sdelay $0x1  }
0x9a: {  	s5 =	simm.s32 $_scs_section_size  }
0x9b: {  	s6 =	simm.s32 $_size__tile_overlayer_lowered;
	s7 =	simm.s32 $_tile_overlayer_lowered  }
0x9c: {  	s22 =	simm.s32 $0x1BFF;
	s21 =	sshll.u32 s7, $0x1;
	s4 =	sadd.s32 s5, s19  }
0x9d: {  	s8 =	simm.s32 $0x0;
	s20 =	sshll.u32 s6, $0x1;
	s6 =	sadd.s32 s21, s4  }
0x9e: {  	[timem:s8], [sflag:s22] =	dma.local [hbm:s6], s20  }
0x9f: {  	_ =	swait.ge [sflag:s22], s20  }
0xa0: {  	s5 =	ssub.s32 $0x0, s20;
	[sflag:s22] =	ssyncset.done $0x0  }
0xa1: {  	[sflag:s22] =	ssyncadd.s32 s5;
	_ =	sdelay $0x1  }
0xa2: {  	s23 =	simm.s32 $0x1B8B  }
0xa3: {  	_ =	swait.ge [sflag:s23], $0x1  }
0xa4: {  	[sflag:s23] =	ssyncset.done $0x0  }
0xa5: {  	s25 =	simm.s32 $0x1B8E;
	s24 =	sld [smem:$0x3FFE];
	[sflag:s23] =	ssyncadd.s32 $0xFFFFFFFF  }
0xa6: {  	s26 =	simm.s32 $execute0_lowered;
	[smem:$0x3FD2] =	sst s25  }
0xa7: {  	s6 =	sshll.u32 s26, $0x1;
	_ =	strace $0x80000049;
	[dreg:$0x1] =	wrdreg $0xFFFFFFFF  }
0xa8: {  	s28 =	simm.s32 $_size_execute0_lowered;
	s4 =	sadd.s32 s4, s6;
	[dreg:$0x0] =	wrdreg $0x0  }
0xa9: {  	s6 =	sshll.u32 s28, $0x1;
	[dreg:$0x2] =	wrdreg s4  }
0xaa: {  	[dreg:$0x3] =	wrdreg s6  }
0xab: {  	[dreg:$0x4] =	wrdreg $0xC0  }
0xac: {  	_ =	task [dreg:s8], $0x5FFFF  }
0xad: {  	[dreg:$0x1] =	wrdreg $0xFFFFFFFF  }
0xae: {  	[dreg:$0x0] =	wrdreg $0x60  }
0xaf: {  	[dreg:$0x2] =	wrdreg s24  }
0xb0: {  	[dreg:$0x3] =	wrdreg s2  }
0xb1: {  	[dreg:$0x4] =	wrdreg s18  }
0xb2: {  	[dreg:$0x5] =	wrdreg $0x9  }
0xb3: {  	_ =	task.clear_ibuf [dreg:s8], $0x6FFFF;
	_ =	strace $0x90000049  }
0xb4: {  	s29 =	simm.s32 $0x9;
	_ =	strace $0x8000004B  }
0xb5: {  	_ =	swait.ge [sflag:s29], $0x1  }
0xb6: {  	[sflag:s29] =	ssyncadd.s32 $0xFFFFFFFF  }
0xb7: {  	_ =	strace $0x9000004B  }
0xb8: {  	_ =	sfence  }
0xb9: {  	s30 =	sld [smem:$0x0];
	_ =	sdelay $0x2  }
0xba: {  	s31 =	sshll.u32 s1, $0xD;
	s1 =	sshrl.u32 s1, $0x2  }
0xbb: {  	s3 =	sand.u32 $0x4000, s31;
	s1 =	sadd.s32 s1, s30  }
0xbc: {  	s0 =	sor.u32 s3, s0;
	s1 =	sshll.u32 s1, $0x11  }
0xbd: {  	s0 =	sor.u32 s1, s0  }
0xbe: {  	s0 =	sadd.s32 $0x8F2B, s0  }
0xbf: {  	[sflag:s0] =	ssyncadd.remote.s32 $0x1  }
0xc0: {  	_ =	sfence.sel $0xFFFF  }
0xc1: {  	[dreg:$0x0] =	wrdreg $0xFFFFFFFF;
	(pc) =	sbr.abs _section_cstart, $3  }
0xc2: {  	[dreg:$0x1] =	wrdreg $0xFFFFFFFF  }
0xc3: {  	_ =	task.clear_ibuf [dreg:s8], $0x2FFFF;
	_ =	strace $0x9FFFFFFF  }
0xc4: {  	(tm) =	ssettm $0x7FFFFFFF  }
0xc5: {  	_ =	shalt  }
tec
execute0_lowered:
.L_overlay_start_1:
0x0: {  	(tag) =	ssettag $0x1  }
0x1: {  	s0 =	rddreg [dreg:$0x0]  }
0x2: {  	s1 =	rddreg [dreg:$0x1]  }
0x3: {  	s2 =	rddreg [dreg:$0x2];
	s4 =	simm.s32 $0x0;
	s3 =	srdreg.scid  }
0x4: {  	s6 =	stileid.u32;
	s14 =	simm.s32 $0x1C300;
	s15 =	simm.s32 $0x1C380  }
0x5: {  	s16 =	simm.s32 $0x1C400;
	[smem:$0x7FF] =	sst s4;
	s3 =	sand.u32 $0x1, s3  }
0x6: {  	s7 =	sshll.u32 s6, $0xE;
	s8 =	sshll.u32 s3, $0xD;
	s3 =	ssub.s32 $0x2, s3  }
0x7: {  	s5 =	sadd.s32 $0x52A00, s0;
	s8 =	sor.u32 s8, s7;
	s9 =	sshrl.u32 s3, $0x1  }
0x8: {  	s10 =	sshrl.u32 s8, $0x3;
	s3 =	ssub.s32 s3, s9;
	s9 =	sadd.s32 $0x62A00, s0  }
0x9: {  	s12 =	sadd.s32 $0x72A00, s0;
	_ =	strace $0x8000004A;
	s19 =	sadd.s32 s10, s9  }
0xa: {  	s13 =	sadd.s32 s5, s10;
	s21 =	sadd.s32 s10, s12;
	[dreg:$0x6] =	wrdreg s19  }
0xb: {  	s22 =	sor.u32 $0x8, s10;
	s10 =	sadd.s32 s1, s10;
	[dreg:$0x8] =	wrdreg s21  }
0xc: {  	s17 =	simm.s32 $0x1C480;
	s30 =	smax.u32 s3, $0x1;
	[dreg:$0x9] =	wrdreg s10  }
0xd: {  	s18 =	simm.s32 $0x1C580;
	s28 =	simm.s32 $0x6;
	[dreg:$0xf] =	wrdreg s30  }
0xe: {  	s6 =	sadd.s32 $0x7AA00, s0;
	s11 =	sadd.s32 $0x8000, s13;
	[dreg:$0x4] =	wrdreg s13  }
0xf: {  	s7 =	sadd.s32 $0x7CA00, s0;
	s20 =	sadd.s32 $0x18000, s13;
	[dreg:$0x5] =	wrdreg s11  }
0x10: {  	s3 =	simm.s32 $0x3;
	s23 =	sadd.s32 s5, s22;
	[dreg:$0x7] =	wrdreg s20  }
0x11: {  	s24 =	sadd.s32 $0x8008, s13;
	s25 =	sadd.s32 $0x10008, s13;
	[dreg:$0xa] =	wrdreg s23  }
0x12: {  	s26 =	sadd.s32 $0x18008, s13;
	s29 =	sadd.s32 s1, s22;
	[dreg:$0xb] =	wrdreg s24  }
0x13: {  	s21 =	sor.u32 $0x80, s8;
	s22 =	sshll.u32 s8, $0x4;
	[dreg:$0xc] =	wrdreg s25  }
0x14: {  	s31 =	sadd.s32 $0x20008, s13;
	s19 =	simm.s32 $0x2;
	[dreg:$0xd] =	wrdreg s26  }
0x15: {  	s10 =	simm.s32 $0x5;
	s13 =	simm.s32 $0x0;
	[dreg:$0xe] =	wrdreg s29  }
0x16: {  	s23 =	sor.u32 $0xC0, s8;
	s24 =	sadd.s32 $0x7CE00, s0;
	[dreg:$0x10] =	wrdreg s31  }
0x17: {  	s11 =	simm.s32 $0x40;
	s26 =	simm.s32 $0x4;
	s8 =	simm.s32 $0x1A000  }
.LBB2_1:
0x18: {  	[dreg:$0x11] =	wrdreg s13  }
0x19: {  	s0 =	rddreg [dreg:$0x4];
	s13 =	simm.s32 $0x1C000  }
0x1a: {  	[tilespmem:s13], [sflag:$0x1] =	stream.linear.gather [hbm4b:s0+s4], $0x40, $0x38;
	[tilespmem:$0x1C600] =	vst v63  }
0x1b: {  	s25 =	rddreg [dreg:$0x5];
	s20 =	simm.s32 $0x1C080  }
0x1c: {  	[tilespmem:s20], [sflag:$0x1] =	stream.linear.gather [hbm4b:s25+s4], $0x40, $0x38;
	[tilespmem:$0x1C600] =	vst v63  }
0x1d: {  	s29 =	rddreg [dreg:$0x6];
	s25 =	simm.s32 $0x1C100  }
0x1e: {  	[tilespmem:s25], [sflag:$0x1] =	stream.linear.gather [hbm4b:s29+s4], $0x40, $0x38;
	[tilespmem:$0x1C600] =	vst v63  }
0x1f: {  	s30 =	rddreg [dreg:$0x7];
	s29 =	simm.s32 $0x1C180  }
0x20: {  	[tilespmem:s29], [sflag:$0x1] =	stream.linear.gather [hbm4b:s30+s4], $0x40, $0x38;
	[tilespmem:$0x1C600] =	vst v63  }
0x21: {  	s31 =	rddreg [dreg:$0x8];
	s30 =	simm.s32 $0x1C200  }
0x22: {  	[tilespmem:s30], [sflag:$0x1] =	stream.linear.gather [hbm4b:s31+s4], $0x40, $0x38;
	[tilespmem:$0x1C600] =	vst v63  }
0x23: {  	s0 =	rddreg [dreg:$0x9];
	s31 =	simm.s32 $0x1C500  }
0x24: {  	[tilespmem:s31], [sflag:$0x1] =	stream.linear.gather [hbm4b:s0+s4], $0x40, $0x38;
	[tilespmem:$0x1C600] =	vst v63  }
0x25: {  	s0 =	simm.s32 $0x1  }
0x26: {  	_ =	swait.ge [sflag:s0], $0x40  }
0x27: {  	[sflag:s0] =	ssyncset.done $0x0  }
0x28: {  	[sflag:s0] =	ssyncadd.s32 $0xFFFFFFC0  }
0x29: {  	_ =	swait.ge [sflag:s0], $0x40  }
0x2a: {  	[sflag:s0] =	ssyncset.done $0x0  }
0x2b: {  	[sflag:s0] =	ssyncadd.s32 $0xFFFFFFC0  }
0x2c: {  	_ =	swait.ge [sflag:s0], $0x40  }
0x2d: {  	[sflag:s0] =	ssyncset.done $0x0  }
0x2e: {  	[sflag:s0] =	ssyncadd.s32 $0xFFFFFFC0  }
0x2f: {  	_ =	swait.ge [sflag:s0], $0x40  }
0x30: {  	[sflag:s0] =	ssyncset.done $0x0  }
0x31: {  	[sflag:s0] =	ssyncadd.s32 $0xFFFFFFC0  }
0x32: {  	_ =	swait.ge [sflag:s0], $0x40  }
0x33: {  	[sflag:s0] =	ssyncset.done $0x0  }
0x34: {  	[sflag:s0] =	ssyncadd.s32 $0xFFFFFFC0  }
0x35: {  	_ =	swait.ge [sflag:s0], $0x40  }
0x36: {  	[sflag:s0] =	ssyncset.done $0x0  }
0x37: {  	[sflag:s0] =	ssyncadd.s32 $0xFFFFFFC0  }
0x38: {  	[tilespmem:s4], [sflag:$0x3] =	stream.indirect.gather [hbm4b:s2+s11], $0x80, s13, s11, $0xb8;
	[tilespmem:$0x1C600] =	vst v63  }
0x39: {  	s13 =	simm.s32 $0x2000  }
0x3a: {  	[tilespmem:s13], [sflag:$0x3] =	stream.indirect.gather [hbm4b:s2+s11], $0x80, s20, s11, $0xb8;
	[tilespmem:$0x1C600] =	vst v63  }
0x3b: {  	s13 =	simm.s32 $0x4000  }
0x3c: {  	[tilespmem:s13], [sflag:$0x3] =	stream.indirect.gather [hbm4b:s2+s11], $0x80, s25, s11, $0xb8;
	[tilespmem:$0x1C600] =	vst v63  }
0x3d: {  	s20 =	simm.s32 $0x6000  }
0x3e: {  	[tilespmem:s20], [sflag:$0x3] =	stream.indirect.gather [hbm4b:s2+s11], $0x80, s29, s11, $0xb8;
	[tilespmem:$0x1C600] =	vst v63  }
0x3f: {  	s25 =	simm.s32 $0x8000  }
0x40: {  	[tilespmem:s25], [sflag:$0x3] =	stream.indirect.gather [hbm4b:s2+s11], $0x80, s30, s11, $0xb8;
	[tilespmem:$0x1C600] =	vst v63  }
0x41: {  	s29 =	simm.s32 $0x14000  }
0x42: {  	[tilespmem:s29], [sflag:$0x3] =	stream.indirect.gather [hbm4b:s6+s11], $0x80, s31, s11, $0xb8;
	[tilespmem:$0x1C600] =	vst v63  }
0x43: {  	s30 =	rddreg [dreg:$0xa];
	s31 =	simm.s32 $0x1C280  }
0x44: {  	[tilespmem:s31], [sflag:$0x2] =	stream.linear.gather [hbm4b:s30+s4], $0x40, $0x38;
	[tilespmem:$0x1C600] =	vst v63  }
0x45: {  	s20 =	rddreg [dreg:$0xb]  }
0x46: {  	[tilespmem:s14], [sflag:$0x2] =	stream.linear.gather [hbm4b:s20+s4], $0x40, $0x38;
	[tilespmem:$0x1C600] =	vst v63  }
0x47: {  	s25 =	rddreg [dreg:$0xc]  }
0x48: {  	[tilespmem:s15], [sflag:$0x2] =	stream.linear.gather [hbm4b:s25+s4], $0x40, $0x38;
	[tilespmem:$0x1C600] =	vst v63  }
0x49: {  	s29 =	rddreg [dreg:$0xd]  }
0x4a: {  	[tilespmem:s16], [sflag:$0x2] =	stream.linear.gather [hbm4b:s29+s4], $0x40, $0x38;
	[tilespmem:$0x1C600] =	vst v63  }
0x4b: {  	s30 =	rddreg [dreg:$0x10]  }
0x4c: {  	[tilespmem:s17], [sflag:$0x2] =	stream.linear.gather [hbm4b:s30+s4], $0x40, $0x38;
	[tilespmem:$0x1C600] =	vst v63  }
0x4d: {  	s31 =	rddreg [dreg:$0xe];
	s20 =	simm.s32 $0x0  }
0x4e: {  	[tilespmem:s18], [sflag:$0x2] =	stream.linear.gather [hbm4b:s31+s4], $0x40, $0x38;
	[tilespmem:$0x1C600] =	vst v63  }
.LBB2_2:
0x4f: {  	_ =	swait.ge [sflag:s19], $0x40  }
0x50: {  	[sflag:s19] =	ssyncset.done $0x0  }
0x51: {  	[sflag:s19] =	ssyncadd.s32 $0xFFFFFFC0  }
0x52: {  	_ =	swait.ge [sflag:s19], $0x40  }
0x53: {  	[sflag:s19] =	ssyncset.done $0x0  }
0x54: {  	[sflag:s19] =	ssyncadd.s32 $0xFFFFFFC0  }
0x55: {  	_ =	swait.ge [sflag:s19], $0x40  }
0x56: {  	[sflag:s19] =	ssyncset.done $0x0  }
0x57: {  	[sflag:s19] =	ssyncadd.s32 $0xFFFFFFC0  }
0x58: {  	_ =	swait.ge [sflag:s19], $0x40  }
0x59: {  	[sflag:s19] =	ssyncset.done $0x0  }
0x5a: {  	[sflag:s19] =	ssyncadd.s32 $0xFFFFFFC0  }
0x5b: {  	_ =	swait.ge [sflag:s19], $0x40  }
0x5c: {  	[sflag:s19] =	ssyncset.done $0x0  }
0x5d: {  	[sflag:s19] =	ssyncadd.s32 $0xFFFFFFC0  }
0x5e: {  	_ =	swait.ge [sflag:s19], $0x40  }
0x5f: {  	[sflag:s19] =	ssyncset.done $0x0  }
0x60: {  	s0 =	simm.s32 $0x1C280;
	s13 =	simm.s32 $0xA000;
	[sflag:s19] =	ssyncadd.s32 $0xFFFFFFC0  }
0x61: {  	[tilespmem:s13], [sflag:$0x4] =	stream.indirect.gather [hbm4b:s2+s11], $0x80, s0, s11, $0xb8;
	[tilespmem:$0x1C600] =	vst v63  }
0x62: {  	s31 =	simm.s32 $0xC000  }
0x63: {  	[tilespmem:s31], [sflag:$0x4] =	stream.indirect.gather [hbm4b:s2+s11], $0x80, s14, s11, $0xb8;
	[tilespmem:$0x1C600] =	vst v63  }
0x64: {  	s13 =	simm.s32 $0xE000  }
0x65: {  	[tilespmem:s13], [sflag:$0x4] =	stream.indirect.gather [hbm4b:s2+s11], $0x80, s15, s11, $0xb8;
	[tilespmem:$0x1C600] =	vst v63  }
0x66: {  	s25 =	simm.s32 $0x10000  }
0x67: {  	[tilespmem:s25], [sflag:$0x4] =	stream.indirect.gather [hbm4b:s2+s11], $0x80, s16, s11, $0xb8;
	[tilespmem:$0x1C600] =	vst v63  }
0x68: {  	s30 =	simm.s32 $0x12000  }
0x69: {  	[tilespmem:s30], [sflag:$0x4] =	stream.indirect.gather [hbm4b:s2+s11], $0x80, s17, s11, $0xb8;
	[tilespmem:$0x1C600] =	vst v63  }
0x6a: {  	s31 =	simm.s32 $0x16000  }
0x6b: {  	[tilespmem:s31], [sflag:$0x4] =	stream.indirect.gather [hbm4b:s6+s11], $0x80, s18, s11, $0xb8;
	[tilespmem:$0x1C600] =	vst v63  }
0x6c: {  	_ =	swait.ge [sflag:s3], $0x2000  }
0x6d: {  	[sflag:s3] =	ssyncset.done $0x0  }
0x6e: {  	[sflag:s3] =	ssyncadd.s32 $0xFFFFE000  }
0x6f: {  	_ =	swait.ge [sflag:s3], $0x2000  }
0x70: {  	[sflag:s3] =	ssyncset.done $0x0  }
0x71: {  	[sflag:s3] =	ssyncadd.s32 $0xFFFFE000  }
0x72: {  	_ =	swait.ge [sflag:s3], $0x2000  }
0x73: {  	[sflag:s3] =	ssyncset.done $0x0  }
0x74: {  	[sflag:s3] =	ssyncadd.s32 $0xFFFFE000  }
0x75: {  	_ =	swait.ge [sflag:s3], $0x2000  }
0x76: {  	[sflag:s3] =	ssyncset.done $0x0  }
0x77: {  	[sflag:s3] =	ssyncadd.s32 $0xFFFFE000  }
0x78: {  	p0 =	seq.s32 s20, $0x3F;
	_ =	swait.ge [sflag:s3], $0x2000  }
0x79: {  	s29 =	sshll.u32 @!p0 s20, $0x7;
	[sflag:s3] =	ssyncset.done $0x0  }
0x7a: {  	s0 =	sadd.s32 @!p0 s29, s21;
	[sflag:s3] =	ssyncadd.s32 $0xFFFFE000  }
0x7b: {  	s0 =	sshrl.u32 @!p0 s0, $0x3;
	_ =	swait.ge [sflag:s3], $0x2000  }
0x7c: {  	s25 =	sadd.s32 @!p0 s5, s0;
	[sflag:s3] =	ssyncset.done $0x0  }
0x7d: {  	s30 =	simm.s32 @!p0 $0x0;
	s31 =	simm.s32 @!p0 $0x1C000;
	[sflag:s3] =	ssyncadd.s32 $0xFFFFE000  }
0x7e: {  	[tilespmem:s31], [sflag:$0x1] =	stream.linear.gather @!p0 [hbm4b:s25+s30], $0x40, $0x38;
	[tilespmem:$0x1C600] =	vst v63  }
0x7f: {  	s13 =	simm.s32 @!p0 $0x1C080;
	s31 =	sadd.s32 @!p0 $0x8000, s25  }
0x80: {  	[tilespmem:s13], [sflag:$0x1] =	stream.linear.gather @!p0 [hbm4b:s31+s30], $0x40, $0x38;
	[tilespmem:$0x1C600] =	vst v63  }
0x81: {  	p1 =	seq.s32 @!p0 s20, $0x0;
	s13 =	sadd.s32 @!p0 s0, s9;
	s31 =	simm.s32 @!p0 $0x1C100  }
0x82: {  	[tilespmem:s31], [sflag:$0x1] =	stream.linear.gather @!p0 [hbm4b:s13+s30], $0x40, $0x38;
	[tilespmem:$0x1C600] =	vst v63  }
0x83: {  	p1 =	por p0, !p1;
	s13 =	sadd.s32 @!p0 $0x18000, s25;
	s25 =	simm.s32 @!p0 $0x1C180  }
0x84: {  	[tilespmem:s25], [sflag:$0x1] =	stream.linear.gather @!p0 [hbm4b:s13+s30], $0x40, $0x38;
	[tilespmem:$0x1C600] =	vst v63  }
.Ltmp0:
0x85: {  	_ = 	snop;
	(pc) =	sbr.rel @!p1 .LBB2_3-.Ltmp0, $4  }
0x86: {  	s13 =	sadd.s32 @!p0 s0, s12;
	s25 =	simm.s32 @!p0 $0x1C200  }
0x87: {  	[tilespmem:s25], [sflag:$0x1] =	stream.linear.gather @!p0 [hbm4b:s13+s30], $0x40, $0x38;
	[tilespmem:$0x1C600] =	vst v63  }
0x88: {  	s0 =	sadd.s32 @!p0 s1, s0;
	s13 =	simm.s32 @!p0 $0x1C500  }
0x89: {  	[tilespmem:s13], [sflag:$0x1] =	stream.linear.gather @!p0 [hbm4b:s0+s30], $0x40, $0x38;
	[tilespmem:$0x1C600] =	vst v63  }
.Ltmp1:
0x8a: {  	(pc) =	sbr.rel .LBB2_5-.Ltmp1, $4  }
0x8b: {  	_ = 	snop  }
0x8c: {  	_ =	swait.ge [sflag:s10], $0x2000  }
0x8d: {  	[sflag:s10] =	ssyncset.done $0x0  }
0x8e: {  	p1 =	por $0x0, $0x0;
	[sflag:s10] =	ssyncadd.s32 $0xFFFFE000  }
.LBB2_3:
0x8f: {  	p1 =	por @!p0 $0x1, $0x1  }
.LBB2_5:
0x90: {  	s30 =	simm.s32 $0x0  }
0x91: {  	v0 =	vld [tilespmem:s30+$0x10]  }
0x92: {  	v1 =	vld [tilespmem:s30+$0x2010]  }
0x93: {  	v2 =	vld [tilespmem:s30+$0x4010]  }
0x94: {  	v3 =	vld [tilespmem:s30+$0x6010]  }
0x95: {  	v4 =	vld [tilespmem:s30+$0x0]  }
0x96: {  	v5 =	vld [tilespmem:s30+$0x2000]  }
0x97: {  	v7 =	vld [tilespmem:s30+$0x4000]  }
0x98: {  	v8 =	vld [tilespmem:s30+$0x8010]  }
0x99: {  	v9 =	vld [tilespmem:s30+$0x6000];
	v1 =	vadd.f32 v1, v0;
	v3 =	vadd.f32 v3, v2  }
0x9a: {  	v0 =	vld [tilespmem:s30+$0x14020]  }
0x9b: {  	v6 =	vld [tilespmem:s30+$0x14010];
	v3 =	vadd.f32 v3, v1  }
0x9c: {  	s31 =	simm.s32 $0x80;
	v2 =	vld [tilespmem:s30+$0x8000]  }
0x9d: {  	v10 =	vadd.f32 v5, v4;
	v4 =	vld [tilespmem:s31+$0x2010];
	v5 =	vadd.f32 v3, v8  }
0x9e: {  	v7 =	vadd.f32 v9, v7;
	v1 =	vld [tilespmem:s30+$0x14000]  }
0x9f: {  	v3 =	vld [tilespmem:s31+$0x10];
	v8 =	vmul.f32 v5, v0  }
0xa0: {  	s0 =	sshll.u32 s20, $0xB;
	s25 =	simm.s32 $0x400;
	v7 =	vadd.f32 v7, v10;
	v5 =	vld [tilespmem:s31+$0x4010]  }
.LBB2_6:
0xa1: {  	p2 =	sne.s32 s25, $0x7E00;
	v9 =	vld [tilespmem:s31+$0x6010];
	v6 =	vadd.f32 v8, v6  }
0xa2: {  	v8 =	vld [tilespmem:s31+$0x0];
	v2 =	vadd.f32 v7, v2  }
0xa3: {  	v7 =	vld [tilespmem:s31+$0x2000];
	[tilespmem:s30+$0x18010] =	vst v6  }
0xa4: {  	v10 =	vld [tilespmem:s31+$0x4000];
	v2 =	vmul.f32 v2, v0  }
0xa5: {  	v11 =	vld [tilespmem:s31+$0x8010]  }
0xa6: {  	v3 =	vadd.f32 v4, v3;
	v12 =	vld [tilespmem:s31+$0x6000];
	v4 =	vadd.f32 v9, v5  }
0xa7: {  	v1 =	vadd.f32 v1, v2;
	v0 =	vld [tilespmem:s31+$0x14020]  }
0xa8: {  	v7 =	vadd.f32 v7, v8;
	v2 =	vld [tilespmem:s31+$0x8000];
	v3 =	vadd.f32 v4, v3  }
.Ltmp2:
0xa9: {  	v6 =	vld [tilespmem:s31+$0x14010];
	[tilespmem:s30+$0x18000] =	vst v1;
	s30 =	smov.u32 s31;
	(pc) =	sbr.rel @p2 .LBB2_6-.Ltmp2, $4  }
0xaa: {  	s31 =	sshra.s32 s25, $0x2;
	v5 =	vadd.f32 v3, v11;
	v1 =	vld [tilespmem:s30+$0x14000]  }
0xab: {  	v3 =	vld [tilespmem:s31+$0x10];
	v9 =	vadd.f32 v12, v10  }
0xac: {  	v4 =	vld [tilespmem:s31+$0x2010];
	v8 =	vmul.f32 v5, v0  }
0xad: {  	s25 =	sadd.s32 $0x200, s25;
	v5 =	vld [tilespmem:s31+$0x4010];
	v7 =	vadd.f32 v9, v7  }
0xae: {  	v9 =	vld [tilespmem:s31+$0x6010];
	v6 =	vadd.f32 v8, v6  }
0xaf: {  	v8 =	vld [tilespmem:s31+$0x0]  }
0xb0: {  	v10 =	vld [tilespmem:s31+$0x2000];
	[tilespmem:s30+$0x18010] =	vst v6  }
0xb1: {  	v6 =	vld [tilespmem:s31+$0x4000]  }
0xb2: {  	v2 =	vadd.f32 v7, v2;
	v7 =	vld [tilespmem:s31+$0x6000];
	_ =	sdelay $0x1  }
0xb3: {  	v0 =	vmul.f32 v2, v0  }
0xb4: {  	v2 =	vld [tilespmem:s31+$0x8010];
	v3 =	vadd.f32 v4, v3  }
0xb5: {  	v4 =	vadd.f32 v9, v5;
	v0 =	vadd.f32 v1, v0;
	v1 =	vld [tilespmem:s31+$0x8000]  }
0xb6: {  	v5 =	vld [tilespmem:s31+$0x14020];
	v8 =	vadd.f32 v10, v8;
	v6 =	vadd.f32 v7, v6  }
0xb7: {  	v3 =	vadd.f32 v4, v3  }
0xb8: {  	v4 =	vld [tilespmem:s31+$0x14010];
	[tilespmem:s30+$0x18000] =	vst v0;
	v0 =	vadd.f32 v6, v8  }
0xb9: {  	v2 =	vadd.f32 v3, v2;
	v3 =	vld [tilespmem:s31+$0x14000]  }
0xba: {  	v0 =	vadd.f32 v0, v1  }
0xbb: {  	v1 =	vmul.f32 v2, v5  }
0xbc: {  	v0 =	vmul.f32 v0, v5  }
0xbd: {  	v1 =	vadd.f32 v1, v4  }
0xbe: {  	v0 =	vadd.f32 v3, v0  }
0xbf: {  	s30 =	sadd.s32 s22, s0;
	[tilespmem:s31+$0x18010] =	vst v1  }
0xc0: {  	s13 =	simm.s32 $0x18000;
	s0 =	sadd.s32 s7, s30;
	[tilespmem:s31+$0x18000] =	vst v0  }
0xc1: {  	[hbm4b:s0+s4] =	stream.linear.scatter [tilespmem:s13], [sflag:$0x5], $0x2000, $0x38;
	[tilespmem:$0x1C600] =	vst v63  }
0xc2: {  	s0 =	simm.s32 @!p0 $0x1  }
0xc3: {  	_ =	swait.ge @!p0 [sflag:s0], $0x40  }
0xc4: {  	[sflag:s0] =	ssyncset.done @!p0 $0x0  }
0xc5: {  	[sflag:s0] =	ssyncadd.s32 @!p0 $0xFFFFFFC0  }
0xc6: {  	_ =	swait.ge @!p0 [sflag:s0], $0x40  }
0xc7: {  	[sflag:s0] =	ssyncset.done @!p0 $0x0  }
0xc8: {  	[sflag:s0] =	ssyncadd.s32 @!p0 $0xFFFFFFC0  }
0xc9: {  	_ =	swait.ge @!p0 [sflag:s0], $0x40  }
0xca: {  	[sflag:s0] =	ssyncset.done @!p0 $0x0  }
0xcb: {  	[sflag:s0] =	ssyncadd.s32 @!p0 $0xFFFFFFC0  }
0xcc: {  	_ =	swait.ge @!p0 [sflag:s0], $0x40  }
0xcd: {  	[sflag:s0] =	ssyncset.done @!p0 $0x0  }
0xce: {  	[sflag:s0] =	ssyncadd.s32 @!p0 $0xFFFFFFC0  }
0xcf: {  	_ =	swait.ge @!p0 [sflag:s0], $0x40  }
0xd0: {  	[sflag:s0] =	ssyncset.done @!p0 $0x0  }
0xd1: {  	[sflag:s0] =	ssyncadd.s32 @!p0 $0xFFFFFFC0  }
0xd2: {  	_ =	swait.ge @!p0 [sflag:s0], $0x40  }
0xd3: {  	s25 =	simm.s32 @!p0 $0x0;
	[sflag:s0] =	ssyncset.done @!p0 $0x0  }
0xd4: {  	s13 =	simm.s32 @!p0 $0x1C000;
	[sflag:s0] =	ssyncadd.s32 @!p0 $0xFFFFFFC0;
	s0 =	simm.s32 @!p0 $0x40  }
0xd5: {  	[tilespmem:s25], [sflag:$0x3] =	stream.indirect.gather @!p0 [hbm4b:s2+s0], $0x80, s13, s0, $0xb8;
	[tilespmem:$0x1C600] =	vst v63  }
0xd6: {  	s31 =	simm.s32 @!p0 $0x2000;
	s13 =	simm.s32 @!p0 $0x1C080  }
0xd7: {  	[tilespmem:s31], [sflag:$0x3] =	stream.indirect.gather @!p0 [hbm4b:s2+s0], $0x80, s13, s0, $0xb8;
	[tilespmem:$0x1C600] =	vst v63  }
0xd8: {  	s13 =	simm.s32 @!p0 $0x1C100;
	s31 =	simm.s32 @!p0 $0x4000  }
0xd9: {  	[tilespmem:s31], [sflag:$0x3] =	stream.indirect.gather @!p0 [hbm4b:s2+s0], $0x80, s13, s0, $0xb8;
	[tilespmem:$0x1C600] =	vst v63  }
0xda: {  	s13 =	simm.s32 @!p0 $0x1C180;
	s31 =	simm.s32 @!p0 $0x6000  }
0xdb: {  	[tilespmem:s31], [sflag:$0x3] =	stream.indirect.gather @!p0 [hbm4b:s2+s0], $0x80, s13, s0, $0xb8;
	[tilespmem:$0x1C600] =	vst v63  }
0xdc: {  	s13 =	simm.s32 @!p0 $0x1C200;
	s31 =	simm.s32 @!p0 $0x8000  }
0xdd: {  	[tilespmem:s31], [sflag:$0x3] =	stream.indirect.gather @!p0 [hbm4b:s2+s0], $0x80, s13, s0, $0xb8;
	[tilespmem:$0x1C600] =	vst v63  }
0xde: {  	s13 =	simm.s32 @!p0 $0x1C500;
	s31 =	simm.s32 @!p0 $0x14000  }
0xdf: {  	[tilespmem:s31], [sflag:$0x3] =	stream.indirect.gather @!p0 [hbm4b:s6+s0], $0x80, s13, s0, $0xb8;
	[tilespmem:$0x1C600] =	vst v63  }
0xe0: {  	_ =	swait.ge [sflag:s26], $0x2000  }
0xe1: {  	[sflag:s26] =	ssyncset.done $0x0  }
0xe2: {  	[sflag:s26] =	ssyncadd.s32 $0xFFFFE000  }
0xe3: {  	_ =	swait.ge [sflag:s26], $0x2000  }
0xe4: {  	[sflag:s26] =	ssyncset.done $0x0  }
0xe5: {  	[sflag:s26] =	ssyncadd.s32 $0xFFFFE000  }
0xe6: {  	_ =	swait.ge [sflag:s26], $0x2000  }
0xe7: {  	[sflag:s26] =	ssyncset.done $0x0  }
0xe8: {  	[sflag:s26] =	ssyncadd.s32 $0xFFFFE000  }
0xe9: {  	_ =	swait.ge [sflag:s26], $0x2000  }
0xea: {  	[sflag:s26] =	ssyncset.done $0x0  }
0xeb: {  	[sflag:s26] =	ssyncadd.s32 $0xFFFFE000  }
0xec: {  	_ =	swait.ge [sflag:s26], $0x2000  }
0xed: {  	[sflag:s26] =	ssyncset.done $0x0  }
0xee: {  	[sflag:s26] =	ssyncadd.s32 $0xFFFFE000  }
0xef: {  	s0 =	sadd.s32 @!p0 s29, s23;
	_ =	swait.ge [sflag:s26], $0x2000  }
0xf0: {  	s0 =	sshrl.u32 @!p0 s0, $0x3;
	[sflag:s26] =	ssyncset.done $0x0  }
0xf1: {  	s29 =	simm.s32 @!p0 $0x1C280;
	s13 =	sadd.s32 @!p0 s5, s0;
	[sflag:s26] =	ssyncadd.s32 $0xFFFFE000  }
0xf2: {  	[tilespmem:s29], [sflag:$0x2] =	stream.linear.gather @!p0 [hbm4b:s13+s25], $0x40, $0x38;
	[tilespmem:$0x1C600] =	vst v63  }
0xf3: {  	s31 =	simm.s32 @!p0 $0x1C300;
	s29 =	sadd.s32 @!p0 $0x8000, s13  }
0xf4: {  	[tilespmem:s31], [sflag:$0x2] =	stream.linear.gather @!p0 [hbm4b:s29+s25], $0x40, $0x38;
	[tilespmem:$0x1C600] =	vst v63  }
0xf5: {  	s29 =	sadd.s32 @!p0 s0, s9;
	s31 =	simm.s32 @!p0 $0x1C380  }
0xf6: {  	[tilespmem:s31], [sflag:$0x2] =	stream.linear.gather @!p0 [hbm4b:s29+s25], $0x40, $0x38;
	[tilespmem:$0x1C600] =	vst v63  }
0xf7: {  	s13 =	sadd.s32 @!p0 $0x18000, s13;
	s29 =	simm.s32 @!p0 $0x1C400  }
0xf8: {  	[tilespmem:s29], [sflag:$0x2] =	stream.linear.gather @!p0 [hbm4b:s13+s25], $0x40, $0x38;
	[tilespmem:$0x1C600] =	vst v63  }
0xf9: {  	s13 =	sadd.s32 @!p0 s0, s12;
	s29 =	simm.s32 @!p0 $0x1C480  }
0xfa: {  	[tilespmem:s29], [sflag:$0x2] =	stream.linear.gather @!p0 [hbm4b:s13+s25], $0x40, $0x38;
	[tilespmem:$0x1C600] =	vst v63  }
0xfb: {  	s0 =	sadd.s32 @!p0 s1, s0;
	s13 =	simm.s32 @!p0 $0x1C580  }
0xfc: {  	[tilespmem:s13], [sflag:$0x2] =	stream.linear.gather @!p0 [hbm4b:s0+s25], $0x40, $0x38;
	[tilespmem:$0x1C600] =	vst v63  }
0xfd: {  	p0 =	por p0, !p1  }
0xfe: {  	_ =	swait.ge @p0 [sflag:s28], $0x2000  }
0xff: {  	[sflag:s28] =	ssyncset.done @p0 $0x0  }
0x100: {  	s29 =	simm.s32 $0x0;
	[sflag:s28] =	ssyncadd.s32 @p0 $0xFFFFE000  }
0x101: {  	v0 =	vld [tilespmem:s29+$0xA010]  }
0x102: {  	v1 =	vld [tilespmem:s29+$0xC010]  }
0x103: {  	v2 =	vld [tilespmem:s29+$0xE010]  }
0x104: {  	v3 =	vld [tilespmem:s29+$0x10010]  }
0x105: {  	v4 =	vld [tilespmem:s29+$0xA000]  }
0x106: {  	v5 =	vld [tilespmem:s29+$0xC000]  }
0x107: {  	v7 =	vld [tilespmem:s29+$0xE000]  }
0x108: {  	v8 =	vld [tilespmem:s29+$0x12010]  }
0x109: {  	v9 =	vld [tilespmem:s29+$0x10000];
	v1 =	vadd.f32 v1, v0;
	v3 =	vadd.f32 v3, v2  }
0x10a: {  	v0 =	vld [tilespmem:s29+$0x16020]  }
0x10b: {  	v6 =	vld [tilespmem:s29+$0x16010];
	v3 =	vadd.f32 v3, v1  }
0x10c: {  	s31 =	simm.s32 $0x80;
	v2 =	vld [tilespmem:s29+$0x12000]  }
0x10d: {  	v10 =	vadd.f32 v5, v4;
	v4 =	vld [tilespmem:s31+$0xC010];
	v5 =	vadd.f32 v3, v8  }
0x10e: {  	v7 =	vadd.f32 v9, v7;
	v1 =	vld [tilespmem:s29+$0x16000]  }
0x10f: {  	v3 =	vld [tilespmem:s31+$0xA010];
	v8 =	vmul.f32 v5, v0  }
0x110: {  	s0 =	simm.s32 $0x400;
	v7 =	vadd.f32 v7, v10;
	v5 =	vld [tilespmem:s31+$0xE010]  }
.LBB2_8:
0x111: {  	p0 =	sne.s32 s0, $0x7E00;
	v9 =	vld [tilespmem:s31+$0x10010];
	v6 =	vadd.f32 v8, v6  }
0x112: {  	v8 =	vld [tilespmem:s31+$0xA000];
	v2 =	vadd.f32 v7, v2  }
0x113: {  	v7 =	vld [tilespmem:s31+$0xC000];
	[tilespmem:s29+$0x1A010] =	vst v6  }
0x114: {  	v10 =	vld [tilespmem:s31+$0xE000];
	v2 =	vmul.f32 v2, v0  }
0x115: {  	v11 =	vld [tilespmem:s31+$0x12010]  }
0x116: {  	v3 =	vadd.f32 v4, v3;
	v12 =	vld [tilespmem:s31+$0x10000];
	v4 =	vadd.f32 v9, v5  }
0x117: {  	v1 =	vadd.f32 v1, v2;
	v0 =	vld [tilespmem:s31+$0x16020]  }
0x118: {  	v7 =	vadd.f32 v7, v8;
	v2 =	vld [tilespmem:s31+$0x12000];
	v3 =	vadd.f32 v4, v3  }
.Ltmp3:
0x119: {  	v6 =	vld [tilespmem:s31+$0x16010];
	[tilespmem:s29+$0x1A000] =	vst v1;
	s29 =	smov.u32 s31;
	(pc) =	sbr.rel @p0 .LBB2_8-.Ltmp3, $4  }
0x11a: {  	s31 =	sshra.s32 s0, $0x2;
	v5 =	vadd.f32 v3, v11;
	v1 =	vld [tilespmem:s29+$0x16000]  }
0x11b: {  	v3 =	vld [tilespmem:s31+$0xA010];
	v9 =	vadd.f32 v12, v10  }
0x11c: {  	v4 =	vld [tilespmem:s31+$0xC010];
	v8 =	vmul.f32 v5, v0  }
0x11d: {  	s0 =	sadd.s32 $0x200, s0;
	v5 =	vld [tilespmem:s31+$0xE010];
	v7 =	vadd.f32 v9, v7  }
0x11e: {  	v9 =	vld [tilespmem:s31+$0x10010];
	v6 =	vadd.f32 v8, v6  }
0x11f: {  	v54 =	vld [tilespmem:s31+$0xA000]  }
0x120: {  	v10 =	vld [tilespmem:s31+$0xC000];
	[tilespmem:s29+$0x1A010] =	vst v6  }
0x121: {  	v6 =	vld [tilespmem:s31+$0xE000]  }
0x122: {  	v2 =	vadd.f32 v7, v2;
	v55 =	vld [tilespmem:s31+$0x10000];
	_ =	sdelay $0x1  }
0x123: {  	v0 =	vmul.f32 v2, v0  }
0x124: {  	v56 =	vld [tilespmem:s31+$0x12010];
	v3 =	vadd.f32 v4, v3  }
0x125: {  	v58 =	vld [tilespmem:s31+$0x12000];
	v57 =	vadd.f32 v9, v5;
	v0 =	vadd.f32 v1, v0  }
0x126: {  	v59 =	vld [tilespmem:s31+$0x16020];
	v8 =	vadd.f32 v10, v54;
	v6 =	vadd.f32 v55, v6  }
0x127: {  	v3 =	vadd.f32 v57, v3  }
0x128: {  	v60 =	vld [tilespmem:s31+$0x16010];
	[tilespmem:s29+$0x1A000] =	vst v0;
	v61 =	vadd.f32 v6, v8  }
0x129: {  	v62 =	vld [tilespmem:s31+$0x16000];
	v2 =	vadd.f32 v3, v56  }
0x12a: {  	v0 =	vadd.f32 v61, v58  }
0x12b: {  	s20 =	sadd.s32 $0x1, s20;
	v63 =	vmul.f32 v2, v59  }
0x12c: {  	p0 =	sne.s32 s20, $0x40;
	v0 =	vmul.f32 v0, v59  }
.Ltmp4:
0x12d: {  	v1 =	vadd.f32 v63, v60;
	(pc) =	sbr.rel @p0 .LBB2_2-.Ltmp4, $4  }
0x12e: {  	v0 =	vadd.f32 v62, v0  }
0x12f: {  	[tilespmem:s31+$0x1A010] =	vst v1  }
0x130: {  	s0 =	sadd.s32 s30, s24;
	[tilespmem:s31+$0x1A000] =	vst v0  }
0x131: {  	[hbm4b:s0+s4] =	stream.linear.scatter [tilespmem:s8], [sflag:$0x6], $0x2000, $0x38;
	[tilespmem:$0x1C600] =	vst v63  }
0x132: {  	_ =	swait.ge [sflag:s10], $0x2000  }
0x133: {  	[sflag:s10] =	ssyncset.done $0x0  }
0x134: {  	[sflag:s10] =	ssyncadd.s32 $0xFFFFE000  }
0x135: {  	_ =	swait.ge [sflag:s28], $0x2000  }
0x136: {  	s13 =	rddreg [dreg:$0x11]  }
0x137: {  	s0 =	rddreg [dreg:$0xf];
	s13 =	sadd.s32 $0x1, s13  }
0x138: {  	p0 =	sne.s32 s13, s0  }
.Ltmp5:
0x139: {  	_ = 	snop;
	(pc) =	sbr.rel @p0 .LBB2_1-.Ltmp5, $3  }
0x13a: {  	_ =	sdelay $0x1  }
0x13b: {  	[sflag:s28] =	ssyncset.done $0x0  }
0x13c: {  	[sflag:s28] =	ssyncadd.s32 $0xFFFFE000  }
0x13d: {  	_ =	sfence.sel $0x180000  }
0x13e: {  	[bflag:$0x0] =	sbarrier.arrive $0xFFFF  }
0x13f: {  	_ =	strace $0x9000004A  }
0x140: {  	s0 =	stileid.u32;
	[bflag:$0x2] =	sbarrier.arrive $0xFFFF  }
0x141: {  	p0 =	sne.s32 s0, $0x0;
	s0 =	rddreg [dreg:$0x3]  }
0x142: {  	s0 =	sadd.s32 @!p0 $0x100000, s0  }
0x143: {  	[sflag:s0] =	ssyncadd.tile.s32 @!p0 $0x1;
	_ =	shalt  }
.Lfunc_end2:
_tile_overlayer_lowered:
.L_overlay_start_2:
0x144: {  	(tag) =	ssettag $0x2  }
0x145: {  	s0 =	rddreg [dreg:$0x0];
	s2 =	stileid.u32  }
0x146: {  	s1 =	rddreg [dreg:$0x1];
	p0 =	sne.s32 s2, $0x0  }
0x147: {  	s3 =	rddreg [dreg:$0x2];
	[bflag:$0x3] =	sbarrier.arrive $0xFFFF;
	s2 =	simm.s32 @!p0 $0x1C07  }
0x148: {  	[timem:s3], [sflag:s2] =	dma.local @!p0 [hbm:s0], s1  }
0x149: {  	s0 =	simm.s32 @!p0 $0x7  }
0x14a: {  	_ =	swait.ge @!p0 [sflag:s0], s1  }
0x14b: {  	s1 =	ssub.s32 @!p0 $0x0, s1;
	[sflag:s0] =	ssyncset.done @!p0 $0x0  }
0x14c: {  	[sflag:s0] =	ssyncadd.s32 @!p0 s1  }
0x14d: {  	[bflag:$0x3] =	sbarrier.arrive $0xFFFF  }
0x14e: {  	_ =	shalt  }

</sc_bundles>
